<compile_context>
chip_gen: v7x
topology: tpu7x:2x2x1
jax: 0.10.2.dev20260603
libtpu: 0.0.44.dev20260713+nightly
codegen_flags: <defaults>
</compile_context>

<pallas_src>
import functools

import jax
import jax.numpy as jnp
from jax import lax
from jax.experimental import pallas as pl
from jax.experimental.pallas import tpu as pltpu
from jax.experimental.pallas import tpu_sc as plsc

_S, _T = 4096, 50
_D = 128
_NC, _NS = 2, 16
_NW = _NC * _NS
_SPW = _S // _NW
_CT = 1
_NCH = _T // _CT
_NBUF = 7

_mesh = plsc.VectorSubcoreMesh(core_axis_name="c", subcore_axis_name="s")


@functools.partial(
    pl.kernel,
    mesh=_mesh,
    out_type=jax.ShapeDtypeStruct((_T, _S, _D), jnp.float32),
    scratch_types=[
        pltpu.VMEM((_T, _SPW), jnp.int32),
        pltpu.VMEM((_NBUF, _CT, _SPW, _D), jnp.float32),
        [pltpu.SemaphoreType.DMA] * _NBUF,
        [pltpu.SemaphoreType.DMA] * _NBUF,
    ],
)
def _emb_lookup(table_hbm, idx_hbm, out_hbm, idx_v, rows_v, gsem, ssem):
    wid = lax.axis_index("c") * _NS + lax.axis_index("s")
    s0 = wid * _SPW
    pltpu.sync_copy(idx_hbm.at[:, pl.ds(s0, _SPW)], idx_v)

    def start_g(j, b):
        for t in range(_CT):
            pltpu.async_copy(
                table_hbm.at[idx_v.at[j * _CT + t]], rows_v.at[b, t], gsem[b])

    def wait_g(b):
        for t in range(_CT):
            pltpu.make_async_copy(
                table_hbm.at[idx_v.at[0]], rows_v.at[b, t], gsem[b]).wait()

    def start_s(j, b):
        pltpu.async_copy(
            rows_v.at[b], out_hbm.at[pl.ds(j * _CT, _CT), pl.ds(s0, _SPW)],
            ssem[b])

    def wait_s(b):
        pltpu.make_async_copy(
            rows_v.at[b], out_hbm.at[pl.ds(0, _CT), pl.ds(s0, _SPW)],
            ssem[b]).wait()

    for b in range(_NBUF - 1):
        start_g(b, b)
    wait_g(0)
    start_s(0, 0)
    start_g(_NBUF - 1, _NBUF - 1)

    _last_g = _NCH - _NBUF
    _aligned = ((_last_g) // _NBUF) * _NBUF

    @pl.loop(1, _aligned + 1, step=_NBUF)
    def _steady(i):
        for u in range(_NBUF):
            j = i + u
            b = (u + 1) % _NBUF
            bp = u % _NBUF
            wait_s(bp)
            start_g(j + _NBUF - 1, bp)
            wait_g(b)
            start_s(j, b)

    for j in range(_aligned + 1, _NCH):
        b = j % _NBUF
        bp = (j - 1) % _NBUF
        if j + _NBUF - 1 < _NCH:
            wait_s(bp)
            start_g(j + _NBUF - 1, bp)
        wait_g(b)
        start_s(j, b)
    for j in range(_NCH - _NBUF, _NCH):
        wait_s(j % _NBUF)


def kernel(token_ids, weight):
    idx_t = jnp.transpose(token_ids).astype(jnp.int32)
    out_t = _emb_lookup(weight, idx_t)
    return jnp.transpose(out_t, (1, 0, 2))

# --- scband reference (transcript-rebuilt; emitter-appended) ---
"""Pipeline reference for scband-embedding-3659312136592 (READ-ONLY COPY).

The authoritative reference and input builder live on the scoring server;
editing this copy changes nothing except your own understanding.
"""

import jax, jax.numpy as jnp
import numpy as np

NUM_EMBEDDINGS = 100000
EMBEDDING_DIM = 128

def setup_inputs(seed: int = 0) -> dict:
    key = jax.random.key(seed)
    k_idx, k_w = jax.random.split(key)
    token_ids = jax.random.randint(k_idx, (4096, 50), 0, NUM_EMBEDDINGS, dtype=jnp.int64 if jax.config.jax_enable_x64 else jnp.int32)
    # trunc_normal_(mean=0, std=1, a=-3, b=3)
    weight = jax.random.truncated_normal(k_w, -3.0, 3.0, (NUM_EMBEDDINGS, EMBEDDING_DIM), dtype=jnp.float32)
    return {"token_ids": token_ids, "weight": weight}

def reference(token_ids, weight):
    # self.weight[token_ids] -> gather rows
    return jnp.take(weight, token_ids, axis=0)

if __name__ == "__main__":
    import jax
    _d = setup_inputs()
    print(jax.jit(kernel)(*tuple(_d.values())))

</pallas_src>

<mosaic_0001>
#map = affine_map<(d0, d1) -> (0, 0)>
#map1 = affine_map<(d0, d1) -> (0, 0, 0)>
module attributes {stable_mosaic.version = 14 : i64} {
  func.func @_emb_lookup(%arg0: i32, %arg1: i32, %arg2: memref<100000x128xf32, #tpu.memory_space<hbm>>, %arg3: memref<50x4096xi32, #tpu.memory_space<hbm>>, %arg4: memref<50x4096x128xf32, #tpu.memory_space<hbm>>, %arg5: memref<50x128xi32, #tpu.memory_space<vmem>>, %arg6: memref<7x1x128x128xf32, #tpu.memory_space<vmem>>, %arg7: memref<!tpu.dma_semaphore, #tpu.memory_space<semaphore_mem>>, %arg8: memref<!tpu.dma_semaphore, #tpu.memory_space<semaphore_mem>>, %arg9: memref<!tpu.dma_semaphore, #tpu.memory_space<semaphore_mem>>, %arg10: memref<!tpu.dma_semaphore, #tpu.memory_space<semaphore_mem>>, %arg11: memref<!tpu.dma_semaphore, #tpu.memory_space<semaphore_mem>>, %arg12: memref<!tpu.dma_semaphore, #tpu.memory_space<semaphore_mem>>, %arg13: memref<!tpu.dma_semaphore, #tpu.memory_space<semaphore_mem>>, %arg14: memref<!tpu.dma_semaphore, #tpu.memory_space<semaphore_mem>>, %arg15: memref<!tpu.dma_semaphore, #tpu.memory_space<semaphore_mem>>, %arg16: memref<!tpu.dma_semaphore, #tpu.memory_space<semaphore_mem>>, %arg17: memref<!tpu.dma_semaphore, #tpu.memory_space<semaphore_mem>>, %arg18: memref<!tpu.dma_semaphore, #tpu.memory_space<semaphore_mem>>, %arg19: memref<!tpu.dma_semaphore, #tpu.memory_space<semaphore_mem>>, %arg20: memref<!tpu.dma_semaphore, #tpu.memory_space<semaphore_mem>>) attributes {dimension_semantics = [#tpu.dimension_semantics<core_parallel>, #tpu.dimension_semantics<subcore_parallel>], iteration_bounds = array<i64: 2, 16>, scalar_prefetch = 0 : i64, scratch_operands = 16 : i64, tpu.core_type = #tpu.core_type<sc_vector_subcore>, window_params = [{transform_indices = #map}, {transform_indices = #map}, {transform_indices = #map1}]} {
    %mul3A = arith.constant 16 : i32
    %mul3A_0 = arith.muli %arg0, %mul3A : i32
    %add3A = arith.addi %mul3A_0, %arg1 : i32
    %mul3A_1 = arith.constant 128 : i32
    %mul3A_2 = arith.muli %add3A, %mul3A_1 : i32
    "tpu.region"() ({
      %run_scoped3A = tpu.sem_alloc : memref<!tpu.dma_semaphore, #tpu.memory_space<semaphore_mem>>
      %dma_start3A_485 = arith.constant 0 : i32
      %dma_start3A_486 = tpu.memref_slice %arg3[%dma_start3A_485, %mul3A_2] : memref<50x4096xi32, #tpu.memory_space<hbm>> -> memref<50x128xi32, #tpu.memory_space<hbm>>
      %dma_start3A_487 = arith.constant 0 : i32
      %dma_start3A_488 = tpu.memref_slice %arg3[%dma_start3A_487, %mul3A_2] : memref<50x4096xi32, #tpu.memory_space<hbm>> -> memref<50x128xi32, #tpu.memory_space<hbm>>
      tpu.enqueue_dma source(%dma_start3A_488 : memref<50x128xi32, #tpu.memory_space<hbm>>) target(%arg5 : memref<50x128xi32, #tpu.memory_space<vmem>>) target_semaphore(%run_scoped3A : memref<!tpu.dma_semaphore, #tpu.memory_space<semaphore_mem>>)
      %dma_wait3A_489 = arith.constant 0 : i32
      %dma_wait3A_490 = tpu.memref_slice %arg3[%dma_wait3A_489, %mul3A_2] : memref<50x4096xi32, #tpu.memory_space<hbm>> -> memref<50x128xi32, #tpu.memory_space<hbm>>
      %dma_wait3A_491 = arith.constant 0 : i32
      %dma_wait3A_492 = tpu.memref_slice %arg3[%dma_wait3A_491, %mul3A_2] : memref<50x4096xi32, #tpu.memory_space<hbm>> -> memref<50x128xi32, #tpu.memory_space<hbm>>
      tpu.wait_dma2 semaphore(%run_scoped3A : memref<!tpu.dma_semaphore, #tpu.memory_space<semaphore_mem>>) src(%dma_wait3A_492 : memref<50x128xi32, #tpu.memory_space<hbm>>) dst(%arg5 : memref<50x128xi32, #tpu.memory_space<vmem>>)
      tpu.yield
    }) : () -> ()
    %dma_start3A = arith.constant 0 : i32
    %dma_start3A_3 = arith.constant 0 : i32
    %dma_start3A_4 = arith.constant 0 : i32
    %dma_start3A_5 = arith.constant 0 : i32
    %dma_start3A_6 = arith.constant 0 : i32
    %dma_start3A_7 = tpu.memref_slice %arg6[%dma_start3A_3, %dma_start3A_4, %dma_start3A_5, %dma_start3A_6] : memref<7x1x128x128xf32, #tpu.memory_space<vmem>> -> memref<1x1x128x128xf32, #tpu.memory_space<vmem>>
    %dma_start3A_8 = tpu.memref_squeeze %dma_start3A_7 : memref<1x1x128x128xf32, #tpu.memory_space<vmem>> -> memref<128x128xf32, #tpu.memory_space<vmem>>
    %dma_start3A_9 = arith.constant 0 : i32
    %dma_start3A_10 = tpu.memref_slice %arg5[%dma_start3A, %dma_start3A_9] : memref<50x128xi32, #tpu.memory_space<vmem>> -> memref<1x128xi32, #tpu.memory_space<vmem>>
    %dma_start3A_11 = tpu.memref_squeeze %dma_start3A_10 : memref<1x128xi32, #tpu.memory_space<vmem>> -> memref<128xi32, #tpu.memory_space<vmem>>
    %dma_start3A_12 = arith.constant 0 : i32
    %dma_start3A_13 = arith.constant 0 : i32
    %dma_start3A_14 = tpu.memref_slice %arg2[%dma_start3A_12, %dma_start3A_13] : memref<100000x128xf32, #tpu.memory_space<hbm>> -> memref<100000x128xf32, #tpu.memory_space<hbm>>
    tpu.enqueue_indirect_dma source(%dma_start3A_14 : memref<100000x128xf32, #tpu.memory_space<hbm>>) target(%dma_start3A_8 : memref<128x128xf32, #tpu.memory_space<vmem>>) offsets(%dma_start3A_11 : memref<128xi32, #tpu.memory_space<vmem>>) semaphore(%arg7 : memref<!tpu.dma_semaphore, #tpu.memory_space<semaphore_mem>>)
    %dma_start3A_15 = arith.constant 1 : i32
    %dma_start3A_16 = arith.constant 1 : i32
    %dma_start3A_17 = arith.constant 0 : i32
    %dma_start3A_18 = arith.constant 0 : i32
    %dma_start3A_19 = arith.constant 0 : i32
    %dma_start3A_20 = tpu.memref_slice %arg6[%dma_start3A_16, %dma_start3A_17, %dma_start3A_18, %dma_start3A_19] : memref<7x1x128x128xf32, #tpu.memory_space<vmem>> -> memref<1x1x128x128xf32, #tpu.memory_space<vmem>>
    %dma_start3A_21 = tpu.memref_squeeze %dma_start3A_20 : memref<1x1x128x128xf32, #tpu.memory_space<vmem>> -> memref<128x128xf32, #tpu.memory_space<vmem>>
    %dma_start3A_22 = arith.constant 0 : i32
    %dma_start3A_23 = tpu.memref_slice %arg5[%dma_start3A_15, %dma_start3A_22] : memref<50x128xi32, #tpu.memory_space<vmem>> -> memref<1x128xi32, #tpu.memory_space<vmem>>
    %dma_start3A_24 = tpu.memref_squeeze %dma_start3A_23 : memref<1x128xi32, #tpu.memory_space<vmem>> -> memref<128xi32, #tpu.memory_space<vmem>>
    %dma_start3A_25 = arith.constant 0 : i32
    %dma_start3A_26 = arith.constant 0 : i32
    %dma_start3A_27 = tpu.memref_slice %arg2[%dma_start3A_25, %dma_start3A_26] : memref<100000x128xf32, #tpu.memory_space<hbm>> -> memref<100000x128xf32, #tpu.memory_space<hbm>>
    tpu.enqueue_indirect_dma source(%dma_start3A_27 : memref<100000x128xf32, #tpu.memory_space<hbm>>) target(%dma_start3A_21 : memref<128x128xf32, #tpu.memory_space<vmem>>) offsets(%dma_start3A_24 : memref<128xi32, #tpu.memory_space<vmem>>) semaphore(%arg8 : memref<!tpu.dma_semaphore, #tpu.memory_space<semaphore_mem>>)
    %dma_start3A_28 = arith.constant 2 : i32
    %dma_start3A_29 = arith.constant 2 : i32
    %dma_start3A_30 = arith.constant 0 : i32
    %dma_start3A_31 = arith.constant 0 : i32
    %dma_start3A_32 = arith.constant 0 : i32
    %dma_start3A_33 = tpu.memref_slice %arg6[%dma_start3A_29, %dma_start3A_30, %dma_start3A_31, %dma_start3A_32] : memref<7x1x128x128xf32, #tpu.memory_space<vmem>> -> memref<1x1x128x128xf32, #tpu.memory_space<vmem>>
    %dma_start3A_34 = tpu.memref_squeeze %dma_start3A_33 : memref<1x1x128x128xf32, #tpu.memory_space<vmem>> -> memref<128x128xf32, #tpu.memory_space<vmem>>
    %dma_start3A_35 = arith.constant 0 : i32
    %dma_start3A_36 = tpu.memref_slice %arg5[%dma_start3A_28, %dma_start3A_35] : memref<50x128xi32, #tpu.memory_space<vmem>> -> memref<1x128xi32, #tpu.memory_space<vmem>>
    %dma_start3A_37 = tpu.memref_squeeze %dma_start3A_36 : memref<1x128xi32, #tpu.memory_space<vmem>> -> memref<128xi32, #tpu.memory_space<vmem>>
    %dma_start3A_38 = arith.constant 0 : i32
    %dma_start3A_39 = arith.constant 0 : i32
    %dma_start3A_40 = tpu.memref_slice %arg2[%dma_start3A_38, %dma_start3A_39] : memref<100000x128xf32, #tpu.memory_space<hbm>> -> memref<100000x128xf32, #tpu.memory_space<hbm>>
    tpu.enqueue_indirect_dma source(%dma_start3A_40 : memref<100000x128xf32, #tpu.memory_space<hbm>>) target(%dma_start3A_34 : memref<128x128xf32, #tpu.memory_space<vmem>>) offsets(%dma_start3A_37 : memref<128xi32, #tpu.memory_space<vmem>>) semaphore(%arg9 : memref<!tpu.dma_semaphore, #tpu.memory_space<semaphore_mem>>)
    %dma_start3A_41 = arith.constant 3 : i32
    %dma_start3A_42 = arith.constant 3 : i32
    %dma_start3A_43 = arith.constant 0 : i32
    %dma_start3A_44 = arith.constant 0 : i32
    %dma_start3A_45 = arith.constant 0 : i32
    %dma_start3A_46 = tpu.memref_slice %arg6[%dma_start3A_42, %dma_start3A_43, %dma_start3A_44, %dma_start3A_45] : memref<7x1x128x128xf32, #tpu.memory_space<vmem>> -> memref<1x1x128x128xf32, #tpu.memory_space<vmem>>
    %dma_start3A_47 = tpu.memref_squeeze %dma_start3A_46 : memref<1x1x128x128xf32, #tpu.memory_space<vmem>> -> memref<128x128xf32, #tpu.memory_space<vmem>>
    %dma_start3A_48 = arith.constant 0 : i32
    %dma_start3A_49 = tpu.memref_slice %arg5[%dma_start3A_41, %dma_start3A_48] : memref<50x128xi32, #tpu.memory_space<vmem>> -> memref<1x128xi32, #tpu.memory_space<vmem>>
    %dma_start3A_50 = tpu.memref_squeeze %dma_start3A_49 : memref<1x128xi32, #tpu.memory_space<vmem>> -> memref<128xi32, #tpu.memory_space<vmem>>
    %dma_start3A_51 = arith.constant 0 : i32
    %dma_start3A_52 = arith.constant 0 : i32
    %dma_start3A_53 = tpu.memref_slice %arg2[%dma_start3A_51, %dma_start3A_52] : memref<100000x128xf32, #tpu.memory_space<hbm>> -> memref<100000x128xf32, #tpu.memory_space<hbm>>
    tpu.enqueue_indirect_dma source(%dma_start3A_53 : memref<100000x128xf32, #tpu.memory_space<hbm>>) target(%dma_start3A_47 : memref<128x128xf32, #tpu.memory_space<vmem>>) offsets(%dma_start3A_50 : memref<128xi32, #tpu.memory_space<vmem>>) semaphore(%arg10 : memref<!tpu.dma_semaphore, #tpu.memory_space<semaphore_mem>>)
    %dma_start3A_54 = arith.constant 4 : i32
    %dma_start3A_55 = arith.constant 4 : i32
    %dma_start3A_56 = arith.constant 0 : i32
    %dma_start3A_57 = arith.constant 0 : i32
    %dma_start3A_58 = arith.constant 0 : i32
    %dma_start3A_59 = tpu.memref_slice %arg6[%dma_start3A_55, %dma_start3A_56, %dma_start3A_57, %dma_start3A_58] : memref<7x1x128x128xf32, #tpu.memory_space<vmem>> -> memref<1x1x128x128xf32, #tpu.memory_space<vmem>>
    %dma_start3A_60 = tpu.memref_squeeze %dma_start3A_59 : memref<1x1x128x128xf32, #tpu.memory_space<vmem>> -> memref<128x128xf32, #tpu.memory_space<vmem>>
    %dma_start3A_61 = arith.constant 0 : i32
    %dma_start3A_62 = tpu.memref_slice %arg5[%dma_start3A_54, %dma_start3A_61] : memref<50x128xi32, #tpu.memory_space<vmem>> -> memref<1x128xi32, #tpu.memory_space<vmem>>
    %dma_start3A_63 = tpu.memref_squeeze %dma_start3A_62 : memref<1x128xi32, #tpu.memory_space<vmem>> -> memref<128xi32, #tpu.memory_space<vmem>>
    %dma_start3A_64 = arith.constant 0 : i32
    %dma_start3A_65 = arith.constant 0 : i32
    %dma_start3A_66 = tpu.memref_slice %arg2[%dma_start3A_64, %dma_start3A_65] : memref<100000x128xf32, #tpu.memory_space<hbm>> -> memref<100000x128xf32, #tpu.memory_space<hbm>>
    tpu.enqueue_indirect_dma source(%dma_start3A_66 : memref<100000x128xf32, #tpu.memory_space<hbm>>) target(%dma_start3A_60 : memref<128x128xf32, #tpu.memory_space<vmem>>) offsets(%dma_start3A_63 : memref<128xi32, #tpu.memory_space<vmem>>) semaphore(%arg11 : memref<!tpu.dma_semaphore, #tpu.memory_space<semaphore_mem>>)
    %dma_start3A_67 = arith.constant 5 : i32
    %dma_start3A_68 = arith.constant 5 : i32
    %dma_start3A_69 = arith.constant 0 : i32
    %dma_start3A_70 = arith.constant 0 : i32
    %dma_start3A_71 = arith.constant 0 : i32
    %dma_start3A_72 = tpu.memref_slice %arg6[%dma_start3A_68, %dma_start3A_69, %dma_start3A_70, %dma_start3A_71] : memref<7x1x128x128xf32, #tpu.memory_space<vmem>> -> memref<1x1x128x128xf32, #tpu.memory_space<vmem>>
    %dma_start3A_73 = tpu.memref_squeeze %dma_start3A_72 : memref<1x1x128x128xf32, #tpu.memory_space<vmem>> -> memref<128x128xf32, #tpu.memory_space<vmem>>
    %dma_start3A_74 = arith.constant 0 : i32
    %dma_start3A_75 = tpu.memref_slice %arg5[%dma_start3A_67, %dma_start3A_74] : memref<50x128xi32, #tpu.memory_space<vmem>> -> memref<1x128xi32, #tpu.memory_space<vmem>>
    %dma_start3A_76 = tpu.memref_squeeze %dma_start3A_75 : memref<1x128xi32, #tpu.memory_space<vmem>> -> memref<128xi32, #tpu.memory_space<vmem>>
    %dma_start3A_77 = arith.constant 0 : i32
    %dma_start3A_78 = arith.constant 0 : i32
    %dma_start3A_79 = tpu.memref_slice %arg2[%dma_start3A_77, %dma_start3A_78] : memref<100000x128xf32, #tpu.memory_space<hbm>> -> memref<100000x128xf32, #tpu.memory_space<hbm>>
    tpu.enqueue_indirect_dma source(%dma_start3A_79 : memref<100000x128xf32, #tpu.memory_space<hbm>>) target(%dma_start3A_73 : memref<128x128xf32, #tpu.memory_space<vmem>>) offsets(%dma_start3A_76 : memref<128xi32, #tpu.memory_space<vmem>>) semaphore(%arg12 : memref<!tpu.dma_semaphore, #tpu.memory_space<semaphore_mem>>)
    %dma_wait3A = arith.constant 0 : i32
    %dma_wait3A_80 = arith.constant 0 : i32
    %dma_wait3A_81 = arith.constant 0 : i32
    %dma_wait3A_82 = arith.constant 0 : i32
    %dma_wait3A_83 = arith.constant 0 : i32
    %dma_wait3A_84 = tpu.memref_slice %arg6[%dma_wait3A_80, %dma_wait3A_81, %dma_wait3A_82, %dma_wait3A_83] : memref<7x1x128x128xf32, #tpu.memory_space<vmem>> -> memref<1x1x128x128xf32, #tpu.memory_space<vmem>>
    %dma_wait3A_85 = tpu.memref_squeeze %dma_wait3A_84 : memref<1x1x128x128xf32, #tpu.memory_space<vmem>> -> memref<128x128xf32, #tpu.memory_space<vmem>>
    %dma_wait3A_86 = arith.constant 0 : i32
    %dma_wait3A_87 = tpu.memref_slice %arg5[%dma_wait3A, %dma_wait3A_86] : memref<50x128xi32, #tpu.memory_space<vmem>> -> memref<1x128xi32, #tpu.memory_space<vmem>>
    %dma_wait3A_88 = tpu.memref_squeeze %dma_wait3A_87 : memref<1x128xi32, #tpu.memory_space<vmem>> -> memref<128xi32, #tpu.memory_space<vmem>>
    %dma_wait3A_89 = arith.constant 0 : i32
    %dma_wait3A_90 = arith.constant 0 : i32
    %dma_wait3A_91 = tpu.memref_slice %arg2[%dma_wait3A_89, %dma_wait3A_90] : memref<100000x128xf32, #tpu.memory_space<hbm>> -> memref<100000x128xf32, #tpu.memory_space<hbm>>
    tpu.wait_indirect_dma semaphore(%arg7 : memref<!tpu.dma_semaphore, #tpu.memory_space<semaphore_mem>>) src(%dma_wait3A_91 : memref<100000x128xf32, #tpu.memory_space<hbm>>) dst(%dma_wait3A_85 : memref<128x128xf32, #tpu.memory_space<vmem>>)
    %dma_start3A_92 = arith.constant 0 : i32
    %dma_start3A_93 = arith.constant 0 : i32
    %dma_start3A_94 = arith.constant 0 : i32
    %dma_start3A_95 = arith.constant 0 : i32
    %dma_start3A_96 = tpu.memref_slice %arg6[%dma_start3A_92, %dma_start3A_93, %dma_start3A_94, %dma_start3A_95] : memref<7x1x128x128xf32, #tpu.memory_space<vmem>> -> memref<1x1x128x128xf32, #tpu.memory_space<vmem>>
    %dma_start3A_97 = tpu.memref_squeeze %dma_start3A_96 : memref<1x1x128x128xf32, #tpu.memory_space<vmem>> -> memref<1x128x128xf32, #tpu.memory_space<vmem>>
    %dma_start3A_98 = arith.constant 0 : i32
    %dma_start3A_99 = arith.constant 0 : i32
    %dma_start3A_100 = tpu.memref_slice %arg4[%dma_start3A_98, %mul3A_2, %dma_start3A_99] : memref<50x4096x128xf32, #tpu.memory_space<hbm>> -> memref<1x128x128xf32, #tpu.memory_space<hbm>>
    %dma_start3A_101 = arith.constant 0 : i32
    %dma_start3A_102 = arith.constant 0 : i32
    %dma_start3A_103 = tpu.memref_slice %arg4[%dma_start3A_101, %mul3A_2, %dma_start3A_102] : memref<50x4096x128xf32, #tpu.memory_space<hbm>> -> memref<1x128x128xf32, #tpu.memory_space<hbm>>
    %dma_start3A_104 = arith.constant 0 : i32
    %dma_start3A_105 = arith.constant 0 : i32
    %dma_start3A_106 = arith.constant 0 : i32
    %dma_start3A_107 = tpu.memref_slice %arg6[%dma_start3A_92, %dma_start3A_104, %dma_start3A_105, %dma_start3A_106] : memref<7x1x128x128xf32, #tpu.memory_space<vmem>> -> memref<1x1x128x128xf32, #tpu.memory_space<vmem>>
    %dma_start3A_108 = tpu.memref_squeeze %dma_start3A_107 : memref<1x1x128x128xf32, #tpu.memory_space<vmem>> -> memref<1x128x128xf32, #tpu.memory_space<vmem>>
    tpu.enqueue_dma source(%dma_start3A_108 : memref<1x128x128xf32, #tpu.memory_space<vmem>>) target(%dma_start3A_103 : memref<1x128x128xf32, #tpu.memory_space<hbm>>) target_semaphore(%arg14 : memref<!tpu.dma_semaphore, #tpu.memory_space<semaphore_mem>>)
    %dma_start3A_109 = arith.constant 6 : i32
    %dma_start3A_110 = arith.constant 6 : i32
    %dma_start3A_111 = arith.constant 0 : i32
    %dma_start3A_112 = arith.constant 0 : i32
    %dma_start3A_113 = arith.constant 0 : i32
    %dma_start3A_114 = tpu.memref_slice %arg6[%dma_start3A_110, %dma_start3A_111, %dma_start3A_112, %dma_start3A_113] : memref<7x1x128x128xf32, #tpu.memory_space<vmem>> -> memref<1x1x128x128xf32, #tpu.memory_space<vmem>>
    %dma_start3A_115 = tpu.memref_squeeze %dma_start3A_114 : memref<1x1x128x128xf32, #tpu.memory_space<vmem>> -> memref<128x128xf32, #tpu.memory_space<vmem>>
    %dma_start3A_116 = arith.constant 0 : i32
    %dma_start3A_117 = tpu.memref_slice %arg5[%dma_start3A_109, %dma_start3A_116] : memref<50x128xi32, #tpu.memory_space<vmem>> -> memref<1x128xi32, #tpu.memory_space<vmem>>
    %dma_start3A_118 = tpu.memref_squeeze %dma_start3A_117 : memref<1x128xi32, #tpu.memory_space<vmem>> -> memref<128xi32, #tpu.memory_space<vmem>>
    %dma_start3A_119 = arith.constant 0 : i32
    %dma_start3A_120 = arith.constant 0 : i32
    %dma_start3A_121 = tpu.memref_slice %arg2[%dma_start3A_119, %dma_start3A_120] : memref<100000x128xf32, #tpu.memory_space<hbm>> -> memref<100000x128xf32, #tpu.memory_space<hbm>>
    tpu.enqueue_indirect_dma source(%dma_start3A_121 : memref<100000x128xf32, #tpu.memory_space<hbm>>) target(%dma_start3A_115 : memref<128x128xf32, #tpu.memory_space<vmem>>) offsets(%dma_start3A_118 : memref<128xi32, #tpu.memory_space<vmem>>) semaphore(%arg13 : memref<!tpu.dma_semaphore, #tpu.memory_space<semaphore_mem>>)
    %scan3A = arith.constant 0 : i32
    %scan3A_122 = arith.constant 6 : i32
    %scan3A_123 = arith.addi %scan3A, %scan3A_122 : i32
    %scan3A_124 = arith.constant 1 : i32
    scf.for %scan3A_485 = %scan3A to %scan3A_123 step %scan3A_124  : i32 {
      %mul3A_486 = arith.constant 7 : i32
      %mul3A_487 = arith.muli %scan3A_485, %mul3A_486 : i32
      %add3A_488 = arith.constant 1 : i32
      %add3A_489 = arith.addi %add3A_488, %mul3A_487 : i32
      %add3A_490 = arith.constant 0 : i32
      %add3A_491 = arith.addi %add3A_489, %add3A_490 : i32
      %dma_wait3A_492 = arith.constant 0 : i32
      %dma_wait3A_493 = arith.constant 0 : i32
      %dma_wait3A_494 = arith.constant 0 : i32
      %dma_wait3A_495 = arith.constant 0 : i32
      %dma_wait3A_496 = tpu.memref_slice %arg6[%dma_wait3A_492, %dma_wait3A_493, %dma_wait3A_494, %dma_wait3A_495] : memref<7x1x128x128xf32, #tpu.memory_space<vmem>> -> memref<1x1x128x128xf32, #tpu.memory_space<vmem>>
      %dma_wait3A_497 = tpu.memref_squeeze %dma_wait3A_496 : memref<1x1x128x128xf32, #tpu.memory_space<vmem>> -> memref<1x128x128xf32, #tpu.memory_space<vmem>>
      %dma_wait3A_498 = arith.constant 0 : i32
      %dma_wait3A_499 = arith.constant 0 : i32
      %dma_wait3A_500 = tpu.memref_slice %arg4[%dma_wait3A_498, %mul3A_2, %dma_wait3A_499] : memref<50x4096x128xf32, #tpu.memory_space<hbm>> -> memref<1x128x128xf32, #tpu.memory_space<hbm>>
      %dma_wait3A_501 = arith.constant 0 : i32
      %dma_wait3A_502 = arith.constant 0 : i32
      %dma_wait3A_503 = tpu.memref_slice %arg4[%dma_wait3A_501, %mul3A_2, %dma_wait3A_502] : memref<50x4096x128xf32, #tpu.memory_space<hbm>> -> memref<1x128x128xf32, #tpu.memory_space<hbm>>
      %dma_wait3A_504 = arith.constant 0 : i32
      %dma_wait3A_505 = arith.constant 0 : i32
      %dma_wait3A_506 = arith.constant 0 : i32
      %dma_wait3A_507 = tpu.memref_slice %arg6[%dma_wait3A_492, %dma_wait3A_504, %dma_wait3A_505, %dma_wait3A_506] : memref<7x1x128x128xf32, #tpu.memory_space<vmem>> -> memref<1x1x128x128xf32, #tpu.memory_space<vmem>>
      %dma_wait3A_508 = tpu.memref_squeeze %dma_wait3A_507 : memref<1x1x128x128xf32, #tpu.memory_space<vmem>> -> memref<1x128x128xf32, #tpu.memory_space<vmem>>
      tpu.wait_dma2 semaphore(%arg14 : memref<!tpu.dma_semaphore, #tpu.memory_space<semaphore_mem>>) src(%dma_wait3A_508 : memref<1x128x128xf32, #tpu.memory_space<vmem>>) dst(%dma_wait3A_503 : memref<1x128x128xf32, #tpu.memory_space<hbm>>)
      %add3A_509 = arith.constant 7 : i32
      %add3A_510 = arith.addi %add3A_491, %add3A_509 : i32
      %sub3A = arith.constant 1 : i32
      %sub3A_511 = arith.subi %add3A_510, %sub3A : i32
      %mul3A_512 = arith.constant 1 : i32
      %mul3A_513 = arith.muli %sub3A_511, %mul3A_512 : i32
      %add3A_514 = arith.constant 0 : i32
      %add3A_515 = arith.addi %mul3A_513, %add3A_514 : i32
      %dma_start3A_516 = arith.constant 0 : i32
      %dma_start3A_517 = arith.constant 0 : i32
      %dma_start3A_518 = arith.constant 0 : i32
      %dma_start3A_519 = arith.constant 0 : i32
      %dma_start3A_520 = tpu.memref_slice %arg6[%dma_start3A_516, %dma_start3A_517, %dma_start3A_518, %dma_start3A_519] : memref<7x1x128x128xf32, #tpu.memory_space<vmem>> -> memref<1x1x128x128xf32, #tpu.memory_space<vmem>>
      %dma_start3A_521 = tpu.memref_squeeze %dma_start3A_520 : memref<1x1x128x128xf32, #tpu.memory_space<vmem>> -> memref<128x128xf32, #tpu.memory_space<vmem>>
      %dma_start3A_522 = arith.constant 0 : i32
      %dma_start3A_523 = tpu.memref_slice %arg5[%add3A_515, %dma_start3A_522] : memref<50x128xi32, #tpu.memory_space<vmem>> -> memref<1x128xi32, #tpu.memory_space<vmem>>
      %dma_start3A_524 = tpu.memref_squeeze %dma_start3A_523 : memref<1x128xi32, #tpu.memory_space<vmem>> -> memref<128xi32, #tpu.memory_space<vmem>>
      %dma_start3A_525 = arith.constant 0 : i32
      %dma_start3A_526 = arith.constant 0 : i32
      %dma_start3A_527 = tpu.memref_slice %arg2[%dma_start3A_525, %dma_start3A_526] : memref<100000x128xf32, #tpu.memory_space<hbm>> -> memref<100000x128xf32, #tpu.memory_space<hbm>>
      tpu.enqueue_indirect_dma source(%dma_start3A_527 : memref<100000x128xf32, #tpu.memory_space<hbm>>) target(%dma_start3A_521 : memref<128x128xf32, #tpu.memory_space<vmem>>) offsets(%dma_start3A_524 : memref<128xi32, #tpu.memory_space<vmem>>) semaphore(%arg7 : memref<!tpu.dma_semaphore, #tpu.memory_space<semaphore_mem>>)
      %dma_wait3A_528 = arith.constant 0 : i32
      %dma_wait3A_529 = arith.constant 1 : i32
      %dma_wait3A_530 = arith.constant 0 : i32
      %dma_wait3A_531 = arith.constant 0 : i32
      %dma_wait3A_532 = arith.constant 0 : i32
      %dma_wait3A_533 = tpu.memref_slice %arg6[%dma_wait3A_529, %dma_wait3A_530, %dma_wait3A_531, %dma_wait3A_532] : memref<7x1x128x128xf32, #tpu.memory_space<vmem>> -> memref<1x1x128x128xf32, #tpu.memory_space<vmem>>
      %dma_wait3A_534 = tpu.memref_squeeze %dma_wait3A_533 : memref<1x1x128x128xf32, #tpu.memory_space<vmem>> -> memref<128x128xf32, #tpu.memory_space<vmem>>
      %dma_wait3A_535 = arith.constant 0 : i32
      %dma_wait3A_536 = tpu.memref_slice %arg5[%dma_wait3A_528, %dma_wait3A_535] : memref<50x128xi32, #tpu.memory_space<vmem>> -> memref<1x128xi32, #tpu.memory_space<vmem>>
      %dma_wait3A_537 = tpu.memref_squeeze %dma_wait3A_536 : memref<1x128xi32, #tpu.memory_space<vmem>> -> memref<128xi32, #tpu.memory_space<vmem>>
      %dma_wait3A_538 = arith.constant 0 : i32
      %dma_wait3A_539 = arith.constant 0 : i32
      %dma_wait3A_540 = tpu.memref_slice %arg2[%dma_wait3A_538, %dma_wait3A_539] : memref<100000x128xf32, #tpu.memory_space<hbm>> -> memref<100000x128xf32, #tpu.memory_space<hbm>>
      tpu.wait_indirect_dma semaphore(%arg8 : memref<!tpu.dma_semaphore, #tpu.memory_space<semaphore_mem>>) src(%dma_wait3A_540 : memref<100000x128xf32, #tpu.memory_space<hbm>>) dst(%dma_wait3A_534 : memref<128x128xf32, #tpu.memory_space<vmem>>)
      %mul3A_541 = arith.constant 1 : i32
      %mul3A_542 = arith.muli %add3A_491, %mul3A_541 : i32
      %dma_start3A_543 = arith.constant 1 : i32
      %dma_start3A_544 = arith.constant 0 : i32
      %dma_start3A_545 = arith.constant 0 : i32
      %dma_start3A_546 = arith.constant 0 : i32
      %dma_start3A_547 = tpu.memref_slice %arg6[%dma_start3A_543, %dma_start3A_544, %dma_start3A_545, %dma_start3A_546] : memref<7x1x128x128xf32, #tpu.memory_space<vmem>> -> memref<1x1x128x128xf32, #tpu.memory_space<vmem>>
      %dma_start3A_548 = tpu.memref_squeeze %dma_start3A_547 : memref<1x1x128x128xf32, #tpu.memory_space<vmem>> -> memref<1x128x128xf32, #tpu.memory_space<vmem>>
      %dma_start3A_549 = arith.constant 0 : i32
      %dma_start3A_550 = tpu.memref_slice %arg4[%mul3A_542, %mul3A_2, %dma_start3A_549] : memref<50x4096x128xf32, #tpu.memory_space<hbm>> -> memref<1x128x128xf32, #tpu.memory_space<hbm>>
      %dma_start3A_551 = arith.constant 0 : i32
      %dma_start3A_552 = tpu.memref_slice %arg4[%mul3A_542, %mul3A_2, %dma_start3A_551] : memref<50x4096x128xf32, #tpu.memory_space<hbm>> -> memref<1x128x128xf32, #tpu.memory_space<hbm>>
      %dma_start3A_553 = arith.constant 0 : i32
      %dma_start3A_554 = arith.constant 0 : i32
      %dma_start3A_555 = arith.constant 0 : i32
      %dma_start3A_556 = tpu.memref_slice %arg6[%dma_start3A_543, %dma_start3A_553, %dma_start3A_554, %dma_start3A_555] : memref<7x1x128x128xf32, #tpu.memory_space<vmem>> -> memref<1x1x128x128xf32, #tpu.memory_space<vmem>>
      %dma_start3A_557 = tpu.memref_squeeze %dma_start3A_556 : memref<1x1x128x128xf32, #tpu.memory_space<vmem>> -> memref<1x128x128xf32, #tpu.memory_space<vmem>>
      tpu.enqueue_dma source(%dma_start3A_557 : memref<1x128x128xf32, #tpu.memory_space<vmem>>) target(%dma_start3A_552 : memref<1x128x128xf32, #tpu.memory_space<hbm>>) target_semaphore(%arg15 : memref<!tpu.dma_semaphore, #tpu.memory_space<semaphore_mem>>)
      %add3A_558 = arith.constant 1 : i32
      %add3A_559 = arith.addi %add3A_489, %add3A_558 : i32
      %dma_wait3A_560 = arith.constant 1 : i32
      %dma_wait3A_561 = arith.constant 0 : i32
      %dma_wait3A_562 = arith.constant 0 : i32
      %dma_wait3A_563 = arith.constant 0 : i32
      %dma_wait3A_564 = tpu.memref_slice %arg6[%dma_wait3A_560, %dma_wait3A_561, %dma_wait3A_562, %dma_wait3A_563] : memref<7x1x128x128xf32, #tpu.memory_space<vmem>> -> memref<1x1x128x128xf32, #tpu.memory_space<vmem>>
      %dma_wait3A_565 = tpu.memref_squeeze %dma_wait3A_564 : memref<1x1x128x128xf32, #tpu.memory_space<vmem>> -> memref<1x128x128xf32, #tpu.memory_space<vmem>>
      %dma_wait3A_566 = arith.constant 0 : i32
      %dma_wait3A_567 = arith.constant 0 : i32
      %dma_wait3A_568 = tpu.memref_slice %arg4[%dma_wait3A_566, %mul3A_2, %dma_wait3A_567] : memref<50x4096x128xf32, #tpu.memory_space<hbm>> -> memref<1x128x128xf32, #tpu.memory_space<hbm>>
      %dma_wait3A_569 = arith.constant 0 : i32
      %dma_wait3A_570 = arith.constant 0 : i32
      %dma_wait3A_571 = tpu.memref_slice %arg4[%dma_wait3A_569, %mul3A_2, %dma_wait3A_570] : memref<50x4096x128xf32, #tpu.memory_space<hbm>> -> memref<1x128x128xf32, #tpu.memory_space<hbm>>
      %dma_wait3A_572 = arith.constant 0 : i32
      %dma_wait3A_573 = arith.constant 0 : i32
      %dma_wait3A_574 = arith.constant 0 : i32
      %dma_wait3A_575 = tpu.memref_slice %arg6[%dma_wait3A_560, %dma_wait3A_572, %dma_wait3A_573, %dma_wait3A_574] : memref<7x1x128x128xf32, #tpu.memory_space<vmem>> -> memref<1x1x128x128xf32, #tpu.memory_space<vmem>>
      %dma_wait3A_576 = tpu.memref_squeeze %dma_wait3A_575 : memref<1x1x128x128xf32, #tpu.memory_space<vmem>> -> memref<1x128x128xf32, #tpu.memory_space<vmem>>
      tpu.wait_dma2 semaphore(%arg15 : memref<!tpu.dma_semaphore, #tpu.memory_space<semaphore_mem>>) src(%dma_wait3A_576 : memref<1x128x128xf32, #tpu.memory_space<vmem>>) dst(%dma_wait3A_571 : memref<1x128x128xf32, #tpu.memory_space<hbm>>)
      %add3A_577 = arith.constant 7 : i32
      %add3A_578 = arith.addi %add3A_559, %add3A_577 : i32
      %sub3A_579 = arith.constant 1 : i32
      %sub3A_580 = arith.subi %add3A_578, %sub3A_579 : i32
      %mul3A_581 = arith.constant 1 : i32
      %mul3A_582 = arith.muli %sub3A_580, %mul3A_581 : i32
      %add3A_583 = arith.constant 0 : i32
      %add3A_584 = arith.addi %mul3A_582, %add3A_583 : i32
      %dma_start3A_585 = arith.constant 1 : i32
      %dma_start3A_586 = arith.constant 0 : i32
      %dma_start3A_587 = arith.constant 0 : i32
      %dma_start3A_588 = arith.constant 0 : i32
      %dma_start3A_589 = tpu.memref_slice %arg6[%dma_start3A_585, %dma_start3A_586, %dma_start3A_587, %dma_start3A_588] : memref<7x1x128x128xf32, #tpu.memory_space<vmem>> -> memref<1x1x128x128xf32, #tpu.memory_space<vmem>>
      %dma_start3A_590 = tpu.memref_squeeze %dma_start3A_589 : memref<1x1x128x128xf32, #tpu.memory_space<vmem>> -> memref<128x128xf32, #tpu.memory_space<vmem>>
      %dma_start3A_591 = arith.constant 0 : i32
      %dma_start3A_592 = tpu.memref_slice %arg5[%add3A_584, %dma_start3A_591] : memref<50x128xi32, #tpu.memory_space<vmem>> -> memref<1x128xi32, #tpu.memory_space<vmem>>
      %dma_start3A_593 = tpu.memref_squeeze %dma_start3A_592 : memref<1x128xi32, #tpu.memory_space<vmem>> -> memref<128xi32, #tpu.memory_space<vmem>>
      %dma_start3A_594 = arith.constant 0 : i32
      %dma_start3A_595 = arith.constant 0 : i32
      %dma_start3A_596 = tpu.memref_slice %arg2[%dma_start3A_594, %dma_start3A_595] : memref<100000x128xf32, #tpu.memory_space<hbm>> -> memref<100000x128xf32, #tpu.memory_space<hbm>>
      tpu.enqueue_indirect_dma source(%dma_start3A_596 : memref<100000x128xf32, #tpu.memory_space<hbm>>) target(%dma_start3A_590 : memref<128x128xf32, #tpu.memory_space<vmem>>) offsets(%dma_start3A_593 : memref<128xi32, #tpu.memory_space<vmem>>) semaphore(%arg8 : memref<!tpu.dma_semaphore, #tpu.memory_space<semaphore_mem>>)
      %dma_wait3A_597 = arith.constant 0 : i32
      %dma_wait3A_598 = arith.constant 2 : i32
      %dma_wait3A_599 = arith.constant 0 : i32
      %dma_wait3A_600 = arith.constant 0 : i32
      %dma_wait3A_601 = arith.constant 0 : i32
      %dma_wait3A_602 = tpu.memref_slice %arg6[%dma_wait3A_598, %dma_wait3A_599, %dma_wait3A_600, %dma_wait3A_601] : memref<7x1x128x128xf32, #tpu.memory_space<vmem>> -> memref<1x1x128x128xf32, #tpu.memory_space<vmem>>
      %dma_wait3A_603 = tpu.memref_squeeze %dma_wait3A_602 : memref<1x1x128x128xf32, #tpu.memory_space<vmem>> -> memref<128x128xf32, #tpu.memory_space<vmem>>
      %dma_wait3A_604 = arith.constant 0 : i32
      %dma_wait3A_605 = tpu.memref_slice %arg5[%dma_wait3A_597, %dma_wait3A_604] : memref<50x128xi32, #tpu.memory_space<vmem>> -> memref<1x128xi32, #tpu.memory_space<vmem>>
      %dma_wait3A_606 = tpu.memref_squeeze %dma_wait3A_605 : memref<1x128xi32, #tpu.memory_space<vmem>> -> memref<128xi32, #tpu.memory_space<vmem>>
      %dma_wait3A_607 = arith.constant 0 : i32
      %dma_wait3A_608 = arith.constant 0 : i32
      %dma_wait3A_609 = tpu.memref_slice %arg2[%dma_wait3A_607, %dma_wait3A_608] : memref<100000x128xf32, #tpu.memory_space<hbm>> -> memref<100000x128xf32, #tpu.memory_space<hbm>>
      tpu.wait_indirect_dma semaphore(%arg9 : memref<!tpu.dma_semaphore, #tpu.memory_space<semaphore_mem>>) src(%dma_wait3A_609 : memref<100000x128xf32, #tpu.memory_space<hbm>>) dst(%dma_wait3A_603 : memref<128x128xf32, #tpu.memory_space<vmem>>)
      %mul3A_610 = arith.constant 1 : i32
      %mul3A_611 = arith.muli %add3A_559, %mul3A_610 : i32
      %dma_start3A_612 = arith.constant 2 : i32
      %dma_start3A_613 = arith.constant 0 : i32
      %dma_start3A_614 = arith.constant 0 : i32
      %dma_start3A_615 = arith.constant 0 : i32
      %dma_start3A_616 = tpu.memref_slice %arg6[%dma_start3A_612, %dma_start3A_613, %dma_start3A_614, %dma_start3A_615] : memref<7x1x128x128xf32, #tpu.memory_space<vmem>> -> memref<1x1x128x128xf32, #tpu.memory_space<vmem>>
      %dma_start3A_617 = tpu.memref_squeeze %dma_start3A_616 : memref<1x1x128x128xf32, #tpu.memory_space<vmem>> -> memref<1x128x128xf32, #tpu.memory_space<vmem>>
      %dma_start3A_618 = arith.constant 0 : i32
      %dma_start3A_619 = tpu.memref_slice %arg4[%mul3A_611, %mul3A_2, %dma_start3A_618] : memref<50x4096x128xf32, #tpu.memory_space<hbm>> -> memref<1x128x128xf32, #tpu.memory_space<hbm>>
      %dma_start3A_620 = arith.constant 0 : i32
      %dma_start3A_621 = tpu.memref_slice %arg4[%mul3A_611, %mul3A_2, %dma_start3A_620] : memref<50x4096x128xf32, #tpu.memory_space<hbm>> -> memref<1x128x128xf32, #tpu.memory_space<hbm>>
      %dma_start3A_622 = arith.constant 0 : i32
      %dma_start3A_623 = arith.constant 0 : i32
      %dma_start3A_624 = arith.constant 0 : i32
      %dma_start3A_625 = tpu.memref_slice %arg6[%dma_start3A_612, %dma_start3A_622, %dma_start3A_623, %dma_start3A_624] : memref<7x1x128x128xf32, #tpu.memory_space<vmem>> -> memref<1x1x128x128xf32, #tpu.memory_space<vmem>>
      %dma_start3A_626 = tpu.memref_squeeze %dma_start3A_625 : memref<1x1x128x128xf32, #tpu.memory_space<vmem>> -> memref<1x128x128xf32, #tpu.memory_space<vmem>>
      tpu.enqueue_dma source(%dma_start3A_626 : memref<1x128x128xf32, #tpu.memory_space<vmem>>) target(%dma_start3A_621 : memref<1x128x128xf32, #tpu.memory_space<hbm>>) target_semaphore(%arg16 : memref<!tpu.dma_semaphore, #tpu.memory_space<semaphore_mem>>)
      %add3A_627 = arith.constant 2 : i32
      %add3A_628 = arith.addi %add3A_489, %add3A_627 : i32
      %dma_wait3A_629 = arith.constant 2 : i32
      %dma_wait3A_630 = arith.constant 0 : i32
      %dma_wait3A_631 = arith.constant 0 : i32
      %dma_wait3A_632 = arith.constant 0 : i32
      %dma_wait3A_633 = tpu.memref_slice %arg6[%dma_wait3A_629, %dma_wait3A_630, %dma_wait3A_631, %dma_wait3A_632] : memref<7x1x128x128xf32, #tpu.memory_space<vmem>> -> memref<1x1x128x128xf32, #tpu.memory_space<vmem>>
      %dma_wait3A_634 = tpu.memref_squeeze %dma_wait3A_633 : memref<1x1x128x128xf32, #tpu.memory_space<vmem>> -> memref<1x128x128xf32, #tpu.memory_space<vmem>>
      %dma_wait3A_635 = arith.constant 0 : i32
      %dma_wait3A_636 = arith.constant 0 : i32
      %dma_wait3A_637 = tpu.memref_slice %arg4[%dma_wait3A_635, %mul3A_2, %dma_wait3A_636] : memref<50x4096x128xf32, #tpu.memory_space<hbm>> -> memref<1x128x128xf32, #tpu.memory_space<hbm>>
      %dma_wait3A_638 = arith.constant 0 : i32
      %dma_wait3A_639 = arith.constant 0 : i32
      %dma_wait3A_640 = tpu.memref_slice %arg4[%dma_wait3A_638, %mul3A_2, %dma_wait3A_639] : memref<50x4096x128xf32, #tpu.memory_space<hbm>> -> memref<1x128x128xf32, #tpu.memory_space<hbm>>
      %dma_wait3A_641 = arith.constant 0 : i32
      %dma_wait3A_642 = arith.constant 0 : i32
      %dma_wait3A_643 = arith.constant 0 : i32
      %dma_wait3A_644 = tpu.memref_slice %arg6[%dma_wait3A_629, %dma_wait3A_641, %dma_wait3A_642, %dma_wait3A_643] : memref<7x1x128x128xf32, #tpu.memory_space<vmem>> -> memref<1x1x128x128xf32, #tpu.memory_space<vmem>>
      %dma_wait3A_645 = tpu.memref_squeeze %dma_wait3A_644 : memref<1x1x128x128xf32, #tpu.memory_space<vmem>> -> memref<1x128x128xf32, #tpu.memory_space<vmem>>
      tpu.wait_dma2 semaphore(%arg16 : memref<!tpu.dma_semaphore, #tpu.memory_space<semaphore_mem>>) src(%dma_wait3A_645 : memref<1x128x128xf32, #tpu.memory_space<vmem>>) dst(%dma_wait3A_640 : memref<1x128x128xf32, #tpu.memory_space<hbm>>)
      %add3A_646 = arith.constant 7 : i32
      %add3A_647 = arith.addi %add3A_628, %add3A_646 : i32
      %sub3A_648 = arith.constant 1 : i32
      %sub3A_649 = arith.subi %add3A_647, %sub3A_648 : i32
      %mul3A_650 = arith.constant 1 : i32
      %mul3A_651 = arith.muli %sub3A_649, %mul3A_650 : i32
      %add3A_652 = arith.constant 0 : i32
      %add3A_653 = arith.addi %mul3A_651, %add3A_652 : i32
      %dma_start3A_654 = arith.constant 2 : i32
      %dma_start3A_655 = arith.constant 0 : i32
      %dma_start3A_656 = arith.constant 0 : i32
      %dma_start3A_657 = arith.constant 0 : i32
      %dma_start3A_658 = tpu.memref_slice %arg6[%dma_start3A_654, %dma_start3A_655, %dma_start3A_656, %dma_start3A_657] : memref<7x1x128x128xf32, #tpu.memory_space<vmem>> -> memref<1x1x128x128xf32, #tpu.memory_space<vmem>>
      %dma_start3A_659 = tpu.memref_squeeze %dma_start3A_658 : memref<1x1x128x128xf32, #tpu.memory_space<vmem>> -> memref<128x128xf32, #tpu.memory_space<vmem>>
      %dma_start3A_660 = arith.constant 0 : i32
      %dma_start3A_661 = tpu.memref_slice %arg5[%add3A_653, %dma_start3A_660] : memref<50x128xi32, #tpu.memory_space<vmem>> -> memref<1x128xi32, #tpu.memory_space<vmem>>
      %dma_start3A_662 = tpu.memref_squeeze %dma_start3A_661 : memref<1x128xi32, #tpu.memory_space<vmem>> -> memref<128xi32, #tpu.memory_space<vmem>>
      %dma_start3A_663 = arith.constant 0 : i32
      %dma_start3A_664 = arith.constant 0 : i32
      %dma_start3A_665 = tpu.memref_slice %arg2[%dma_start3A_663, %dma_start3A_664] : memref<100000x128xf32, #tpu.memory_space<hbm>> -> memref<100000x128xf32, #tpu.memory_space<hbm>>
      tpu.enqueue_indirect_dma source(%dma_start3A_665 : memref<100000x128xf32, #tpu.memory_space<hbm>>) target(%dma_start3A_659 : memref<128x128xf32, #tpu.memory_space<vmem>>) offsets(%dma_start3A_662 : memref<128xi32, #tpu.memory_space<vmem>>) semaphore(%arg9 : memref<!tpu.dma_semaphore, #tpu.memory_space<semaphore_mem>>)
      %dma_wait3A_666 = arith.constant 0 : i32
      %dma_wait3A_667 = arith.constant 3 : i32
      %dma_wait3A_668 = arith.constant 0 : i32
      %dma_wait3A_669 = arith.constant 0 : i32
      %dma_wait3A_670 = arith.constant 0 : i32
      %dma_wait3A_671 = tpu.memref_slice %arg6[%dma_wait3A_667, %dma_wait3A_668, %dma_wait3A_669, %dma_wait3A_670] : memref<7x1x128x128xf32, #tpu.memory_space<vmem>> -> memref<1x1x128x128xf32, #tpu.memory_space<vmem>>
      %dma_wait3A_672 = tpu.memref_squeeze %dma_wait3A_671 : memref<1x1x128x128xf32, #tpu.memory_space<vmem>> -> memref<128x128xf32, #tpu.memory_space<vmem>>
      %dma_wait3A_673 = arith.constant 0 : i32
      %dma_wait3A_674 = tpu.memref_slice %arg5[%dma_wait3A_666, %dma_wait3A_673] : memref<50x128xi32, #tpu.memory_space<vmem>> -> memref<1x128xi32, #tpu.memory_space<vmem>>
      %dma_wait3A_675 = tpu.memref_squeeze %dma_wait3A_674 : memref<1x128xi32, #tpu.memory_space<vmem>> -> memref<128xi32, #tpu.memory_space<vmem>>
      %dma_wait3A_676 = arith.constant 0 : i32
      %dma_wait3A_677 = arith.constant 0 : i32
      %dma_wait3A_678 = tpu.memref_slice %arg2[%dma_wait3A_676, %dma_wait3A_677] : memref<100000x128xf32, #tpu.memory_space<hbm>> -> memref<100000x128xf32, #tpu.memory_space<hbm>>
      tpu.wait_indirect_dma semaphore(%arg10 : memref<!tpu.dma_semaphore, #tpu.memory_space<semaphore_mem>>) src(%dma_wait3A_678 : memref<100000x128xf32, #tpu.memory_space<hbm>>) dst(%dma_wait3A_672 : memref<128x128xf32, #tpu.memory_space<vmem>>)
      %mul3A_679 = arith.constant 1 : i32
      %mul3A_680 = arith.muli %add3A_628, %mul3A_679 : i32
      %dma_start3A_681 = arith.constant 3 : i32
      %dma_start3A_682 = arith.constant 0 : i32
      %dma_start3A_683 = arith.constant 0 : i32
      %dma_start3A_684 = arith.constant 0 : i32
      %dma_start3A_685 = tpu.memref_slice %arg6[%dma_start3A_681, %dma_start3A_682, %dma_start3A_683, %dma_start3A_684] : memref<7x1x128x128xf32, #tpu.memory_space<vmem>> -> memref<1x1x128x128xf32, #tpu.memory_space<vmem>>
      %dma_start3A_686 = tpu.memref_squeeze %dma_start3A_685 : memref<1x1x128x128xf32, #tpu.memory_space<vmem>> -> memref<1x128x128xf32, #tpu.memory_space<vmem>>
      %dma_start3A_687 = arith.constant 0 : i32
      %dma_start3A_688 = tpu.memref_slice %arg4[%mul3A_680, %mul3A_2, %dma_start3A_687] : memref<50x4096x128xf32, #tpu.memory_space<hbm>> -> memref<1x128x128xf32, #tpu.memory_space<hbm>>
      %dma_start3A_689 = arith.constant 0 : i32
      %dma_start3A_690 = tpu.memref_slice %arg4[%mul3A_680, %mul3A_2, %dma_start3A_689] : memref<50x4096x128xf32, #tpu.memory_space<hbm>> -> memref<1x128x128xf32, #tpu.memory_space<hbm>>
      %dma_start3A_691 = arith.constant 0 : i32
      %dma_start3A_692 = arith.constant 0 : i32
      %dma_start3A_693 = arith.constant 0 : i32
      %dma_start3A_694 = tpu.memref_slice %arg6[%dma_start3A_681, %dma_start3A_691, %dma_start3A_692, %dma_start3A_693] : memref<7x1x128x128xf32, #tpu.memory_space<vmem>> -> memref<1x1x128x128xf32, #tpu.memory_space<vmem>>
      %dma_start3A_695 = tpu.memref_squeeze %dma_start3A_694 : memref<1x1x128x128xf32, #tpu.memory_space<vmem>> -> memref<1x128x128xf32, #tpu.memory_space<vmem>>
      tpu.enqueue_dma source(%dma_start3A_695 : memref<1x128x128xf32, #tpu.memory_space<vmem>>) target(%dma_start3A_690 : memref<1x128x128xf32, #tpu.memory_space<hbm>>) target_semaphore(%arg17 : memref<!tpu.dma_semaphore, #tpu.memory_space<semaphore_mem>>)
      %add3A_696 = arith.constant 3 : i32
      %add3A_697 = arith.addi %add3A_489, %add3A_696 : i32
      %dma_wait3A_698 = arith.constant 3 : i32
      %dma_wait3A_699 = arith.constant 0 : i32
      %dma_wait3A_700 = arith.constant 0 : i32
      %dma_wait3A_701 = arith.constant 0 : i32
      %dma_wait3A_702 = tpu.memref_slice %arg6[%dma_wait3A_698, %dma_wait3A_699, %dma_wait3A_700, %dma_wait3A_701] : memref<7x1x128x128xf32, #tpu.memory_space<vmem>> -> memref<1x1x128x128xf32, #tpu.memory_space<vmem>>
      %dma_wait3A_703 = tpu.memref_squeeze %dma_wait3A_702 : memref<1x1x128x128xf32, #tpu.memory_space<vmem>> -> memref<1x128x128xf32, #tpu.memory_space<vmem>>
      %dma_wait3A_704 = arith.constant 0 : i32
      %dma_wait3A_705 = arith.constant 0 : i32
      %dma_wait3A_706 = tpu.memref_slice %arg4[%dma_wait3A_704, %mul3A_2, %dma_wait3A_705] : memref<50x4096x128xf32, #tpu.memory_space<hbm>> -> memref<1x128x128xf32, #tpu.memory_space<hbm>>
      %dma_wait3A_707 = arith.constant 0 : i32
      %dma_wait3A_708 = arith.constant 0 : i32
      %dma_wait3A_709 = tpu.memref_slice %arg4[%dma_wait3A_707, %mul3A_2, %dma_wait3A_708] : memref<50x4096x128xf32, #tpu.memory_space<hbm>> -> memref<1x128x128xf32, #tpu.memory_space<hbm>>
      %dma_wait3A_710 = arith.constant 0 : i32
      %dma_wait3A_711 = arith.constant 0 : i32
      %dma_wait3A_712 = arith.constant 0 : i32
      %dma_wait3A_713 = tpu.memref_slice %arg6[%dma_wait3A_698, %dma_wait3A_710, %dma_wait3A_711, %dma_wait3A_712] : memref<7x1x128x128xf32, #tpu.memory_space<vmem>> -> memref<1x1x128x128xf32, #tpu.memory_space<vmem>>
      %dma_wait3A_714 = tpu.memref_squeeze %dma_wait3A_713 : memref<1x1x128x128xf32, #tpu.memory_space<vmem>> -> memref<1x128x128xf32, #tpu.memory_space<vmem>>
      tpu.wait_dma2 semaphore(%arg17 : memref<!tpu.dma_semaphore, #tpu.memory_space<semaphore_mem>>) src(%dma_wait3A_714 : memref<1x128x128xf32, #tpu.memory_space<vmem>>) dst(%dma_wait3A_709 : memref<1x128x128xf32, #tpu.memory_space<hbm>>)
      %add3A_715 = arith.constant 7 : i32
      %add3A_716 = arith.addi %add3A_697, %add3A_715 : i32
      %sub3A_717 = arith.constant 1 : i32
      %sub3A_718 = arith.subi %add3A_716, %sub3A_717 : i32
      %mul3A_719 = arith.constant 1 : i32
      %mul3A_720 = arith.muli %sub3A_718, %mul3A_719 : i32
      %add3A_721 = arith.constant 0 : i32
      %add3A_722 = arith.addi %mul3A_720, %add3A_721 : i32
      %dma_start3A_723 = arith.constant 3 : i32
      %dma_start3A_724 = arith.constant 0 : i32
      %dma_start3A_725 = arith.constant 0 : i32
      %dma_start3A_726 = arith.constant 0 : i32
      %dma_start3A_727 = tpu.memref_slice %arg6[%dma_start3A_723, %dma_start3A_724, %dma_start3A_725, %dma_start3A_726] : memref<7x1x128x128xf32, #tpu.memory_space<vmem>> -> memref<1x1x128x128xf32, #tpu.memory_space<vmem>>
      %dma_start3A_728 = tpu.memref_squeeze %dma_start3A_727 : memref<1x1x128x128xf32, #tpu.memory_space<vmem>> -> memref<128x128xf32, #tpu.memory_space<vmem>>
      %dma_start3A_729 = arith.constant 0 : i32
      %dma_start3A_730 = tpu.memref_slice %arg5[%add3A_722, %dma_start3A_729] : memref<50x128xi32, #tpu.memory_space<vmem>> -> memref<1x128xi32, #tpu.memory_space<vmem>>
      %dma_start3A_731 = tpu.memref_squeeze %dma_start3A_730 : memref<1x128xi32, #tpu.memory_space<vmem>> -> memref<128xi32, #tpu.memory_space<vmem>>
      %dma_start3A_732 = arith.constant 0 : i32
      %dma_start3A_733 = arith.constant 0 : i32
      %dma_start3A_734 = tpu.memref_slice %arg2[%dma_start3A_732, %dma_start3A_733] : memref<100000x128xf32, #tpu.memory_space<hbm>> -> memref<100000x128xf32, #tpu.memory_space<hbm>>
      tpu.enqueue_indirect_dma source(%dma_start3A_734 : memref<100000x128xf32, #tpu.memory_space<hbm>>) target(%dma_start3A_728 : memref<128x128xf32, #tpu.memory_space<vmem>>) offsets(%dma_start3A_731 : memref<128xi32, #tpu.memory_space<vmem>>) semaphore(%arg10 : memref<!tpu.dma_semaphore, #tpu.memory_space<semaphore_mem>>)
      %dma_wait3A_735 = arith.constant 0 : i32
      %dma_wait3A_736 = arith.constant 4 : i32
      %dma_wait3A_737 = arith.constant 0 : i32
      %dma_wait3A_738 = arith.constant 0 : i32
      %dma_wait3A_739 = arith.constant 0 : i32
      %dma_wait3A_740 = tpu.memref_slice %arg6[%dma_wait3A_736, %dma_wait3A_737, %dma_wait3A_738, %dma_wait3A_739] : memref<7x1x128x128xf32, #tpu.memory_space<vmem>> -> memref<1x1x128x128xf32, #tpu.memory_space<vmem>>
      %dma_wait3A_741 = tpu.memref_squeeze %dma_wait3A_740 : memref<1x1x128x128xf32, #tpu.memory_space<vmem>> -> memref<128x128xf32, #tpu.memory_space<vmem>>
      %dma_wait3A_742 = arith.constant 0 : i32
      %dma_wait3A_743 = tpu.memref_slice %arg5[%dma_wait3A_735, %dma_wait3A_742] : memref<50x128xi32, #tpu.memory_space<vmem>> -> memref<1x128xi32, #tpu.memory_space<vmem>>
      %dma_wait3A_744 = tpu.memref_squeeze %dma_wait3A_743 : memref<1x128xi32, #tpu.memory_space<vmem>> -> memref<128xi32, #tpu.memory_space<vmem>>
      %dma_wait3A_745 = arith.constant 0 : i32
      %dma_wait3A_746 = arith.constant 0 : i32
      %dma_wait3A_747 = tpu.memref_slice %arg2[%dma_wait3A_745, %dma_wait3A_746] : memref<100000x128xf32, #tpu.memory_space<hbm>> -> memref<100000x128xf32, #tpu.memory_space<hbm>>
      tpu.wait_indirect_dma semaphore(%arg11 : memref<!tpu.dma_semaphore, #tpu.memory_space<semaphore_mem>>) src(%dma_wait3A_747 : memref<100000x128xf32, #tpu.memory_space<hbm>>) dst(%dma_wait3A_741 : memref<128x128xf32, #tpu.memory_space<vmem>>)
      %mul3A_748 = arith.constant 1 : i32
      %mul3A_749 = arith.muli %add3A_697, %mul3A_748 : i32
      %dma_start3A_750 = arith.constant 4 : i32
      %dma_start3A_751 = arith.constant 0 : i32
      %dma_start3A_752 = arith.constant 0 : i32
      %dma_start3A_753 = arith.constant 0 : i32
      %dma_start3A_754 = tpu.memref_slice %arg6[%dma_start3A_750, %dma_start3A_751, %dma_start3A_752, %dma_start3A_753] : memref<7x1x128x128xf32, #tpu.memory_space<vmem>> -> memref<1x1x128x128xf32, #tpu.memory_space<vmem>>
      %dma_start3A_755 = tpu.memref_squeeze %dma_start3A_754 : memref<1x1x128x128xf32, #tpu.memory_space<vmem>> -> memref<1x128x128xf32, #tpu.memory_space<vmem>>
      %dma_start3A_756 = arith.constant 0 : i32
      %dma_start3A_757 = tpu.memref_slice %arg4[%mul3A_749, %mul3A_2, %dma_start3A_756] : memref<50x4096x128xf32, #tpu.memory_space<hbm>> -> memref<1x128x128xf32, #tpu.memory_space<hbm>>
      %dma_start3A_758 = arith.constant 0 : i32
      %dma_start3A_759 = tpu.memref_slice %arg4[%mul3A_749, %mul3A_2, %dma_start3A_758] : memref<50x4096x128xf32, #tpu.memory_space<hbm>> -> memref<1x128x128xf32, #tpu.memory_space<hbm>>
      %dma_start3A_760 = arith.constant 0 : i32
      %dma_start3A_761 = arith.constant 0 : i32
      %dma_start3A_762 = arith.constant 0 : i32
      %dma_start3A_763 = tpu.memref_slice %arg6[%dma_start3A_750, %dma_start3A_760, %dma_start3A_761, %dma_start3A_762] : memref<7x1x128x128xf32, #tpu.memory_space<vmem>> -> memref<1x1x128x128xf32, #tpu.memory_space<vmem>>
      %dma_start3A_764 = tpu.memref_squeeze %dma_start3A_763 : memref<1x1x128x128xf32, #tpu.memory_space<vmem>> -> memref<1x128x128xf32, #tpu.memory_space<vmem>>
      tpu.enqueue_dma source(%dma_start3A_764 : memref<1x128x128xf32, #tpu.memory_space<vmem>>) target(%dma_start3A_759 : memref<1x128x128xf32, #tpu.memory_space<hbm>>) target_semaphore(%arg18 : memref<!tpu.dma_semaphore, #tpu.memory_space<semaphore_mem>>)
      %add3A_765 = arith.constant 4 : i32
      %add3A_766 = arith.addi %add3A_489, %add3A_765 : i32
      %dma_wait3A_767 = arith.constant 4 : i32
      %dma_wait3A_768 = arith.constant 0 : i32
      %dma_wait3A_769 = arith.constant 0 : i32
      %dma_wait3A_770 = arith.constant 0 : i32
      %dma_wait3A_771 = tpu.memref_slice %arg6[%dma_wait3A_767, %dma_wait3A_768, %dma_wait3A_769, %dma_wait3A_770] : memref<7x1x128x128xf32, #tpu.memory_space<vmem>> -> memref<1x1x128x128xf32, #tpu.memory_space<vmem>>
      %dma_wait3A_772 = tpu.memref_squeeze %dma_wait3A_771 : memref<1x1x128x128xf32, #tpu.memory_space<vmem>> -> memref<1x128x128xf32, #tpu.memory_space<vmem>>
      %dma_wait3A_773 = arith.constant 0 : i32
      %dma_wait3A_774 = arith.constant 0 : i32
      %dma_wait3A_775 = tpu.memref_slice %arg4[%dma_wait3A_773, %mul3A_2, %dma_wait3A_774] : memref<50x4096x128xf32, #tpu.memory_space<hbm>> -> memref<1x128x128xf32, #tpu.memory_space<hbm>>
      %dma_wait3A_776 = arith.constant 0 : i32
      %dma_wait3A_777 = arith.constant 0 : i32
      %dma_wait3A_778 = tpu.memref_slice %arg4[%dma_wait3A_776, %mul3A_2, %dma_wait3A_777] : memref<50x4096x128xf32, #tpu.memory_space<hbm>> -> memref<1x128x128xf32, #tpu.memory_space<hbm>>
      %dma_wait3A_779 = arith.constant 0 : i32
      %dma_wait3A_780 = arith.constant 0 : i32
      %dma_wait3A_781 = arith.constant 0 : i32
      %dma_wait3A_782 = tpu.memref_slice %arg6[%dma_wait3A_767, %dma_wait3A_779, %dma_wait3A_780, %dma_wait3A_781] : memref<7x1x128x128xf32, #tpu.memory_space<vmem>> -> memref<1x1x128x128xf32, #tpu.memory_space<vmem>>
      %dma_wait3A_783 = tpu.memref_squeeze %dma_wait3A_782 : memref<1x1x128x128xf32, #tpu.memory_space<vmem>> -> memref<1x128x128xf32, #tpu.memory_space<vmem>>
      tpu.wait_dma2 semaphore(%arg18 : memref<!tpu.dma_semaphore, #tpu.memory_space<semaphore_mem>>) src(%dma_wait3A_783 : memref<1x128x128xf32, #tpu.memory_space<vmem>>) dst(%dma_wait3A_778 : memref<1x128x128xf32, #tpu.memory_space<hbm>>)
      %add3A_784 = arith.constant 7 : i32
      %add3A_785 = arith.addi %add3A_766, %add3A_784 : i32
      %sub3A_786 = arith.constant 1 : i32
      %sub3A_787 = arith.subi %add3A_785, %sub3A_786 : i32
      %mul3A_788 = arith.constant 1 : i32
      %mul3A_789 = arith.muli %sub3A_787, %mul3A_788 : i32
      %add3A_790 = arith.constant 0 : i32
      %add3A_791 = arith.addi %mul3A_789, %add3A_790 : i32
      %dma_start3A_792 = arith.constant 4 : i32
      %dma_start3A_793 = arith.constant 0 : i32
      %dma_start3A_794 = arith.constant 0 : i32
      %dma_start3A_795 = arith.constant 0 : i32
      %dma_start3A_796 = tpu.memref_slice %arg6[%dma_start3A_792, %dma_start3A_793, %dma_start3A_794, %dma_start3A_795] : memref<7x1x128x128xf32, #tpu.memory_space<vmem>> -> memref<1x1x128x128xf32, #tpu.memory_space<vmem>>
      %dma_start3A_797 = tpu.memref_squeeze %dma_start3A_796 : memref<1x1x128x128xf32, #tpu.memory_space<vmem>> -> memref<128x128xf32, #tpu.memory_space<vmem>>
      %dma_start3A_798 = arith.constant 0 : i32
      %dma_start3A_799 = tpu.memref_slice %arg5[%add3A_791, %dma_start3A_798] : memref<50x128xi32, #tpu.memory_space<vmem>> -> memref<1x128xi32, #tpu.memory_space<vmem>>
      %dma_start3A_800 = tpu.memref_squeeze %dma_start3A_799 : memref<1x128xi32, #tpu.memory_space<vmem>> -> memref<128xi32, #tpu.memory_space<vmem>>
      %dma_start3A_801 = arith.constant 0 : i32
      %dma_start3A_802 = arith.constant 0 : i32
      %dma_start3A_803 = tpu.memref_slice %arg2[%dma_start3A_801, %dma_start3A_802] : memref<100000x128xf32, #tpu.memory_space<hbm>> -> memref<100000x128xf32, #tpu.memory_space<hbm>>
      tpu.enqueue_indirect_dma source(%dma_start3A_803 : memref<100000x128xf32, #tpu.memory_space<hbm>>) target(%dma_start3A_797 : memref<128x128xf32, #tpu.memory_space<vmem>>) offsets(%dma_start3A_800 : memref<128xi32, #tpu.memory_space<vmem>>) semaphore(%arg11 : memref<!tpu.dma_semaphore, #tpu.memory_space<semaphore_mem>>)
      %dma_wait3A_804 = arith.constant 0 : i32
      %dma_wait3A_805 = arith.constant 5 : i32
      %dma_wait3A_806 = arith.constant 0 : i32
      %dma_wait3A_807 = arith.constant 0 : i32
      %dma_wait3A_808 = arith.constant 0 : i32
      %dma_wait3A_809 = tpu.memref_slice %arg6[%dma_wait3A_805, %dma_wait3A_806, %dma_wait3A_807, %dma_wait3A_808] : memref<7x1x128x128xf32, #tpu.memory_space<vmem>> -> memref<1x1x128x128xf32, #tpu.memory_space<vmem>>
      %dma_wait3A_810 = tpu.memref_squeeze %dma_wait3A_809 : memref<1x1x128x128xf32, #tpu.memory_space<vmem>> -> memref<128x128xf32, #tpu.memory_space<vmem>>
      %dma_wait3A_811 = arith.constant 0 : i32
      %dma_wait3A_812 = tpu.memref_slice %arg5[%dma_wait3A_804, %dma_wait3A_811] : memref<50x128xi32, #tpu.memory_space<vmem>> -> memref<1x128xi32, #tpu.memory_space<vmem>>
      %dma_wait3A_813 = tpu.memref_squeeze %dma_wait3A_812 : memref<1x128xi32, #tpu.memory_space<vmem>> -> memref<128xi32, #tpu.memory_space<vmem>>
      %dma_wait3A_814 = arith.constant 0 : i32
      %dma_wait3A_815 = arith.constant 0 : i32
      %dma_wait3A_816 = tpu.memref_slice %arg2[%dma_wait3A_814, %dma_wait3A_815] : memref<100000x128xf32, #tpu.memory_space<hbm>> -> memref<100000x128xf32, #tpu.memory_space<hbm>>
      tpu.wait_indirect_dma semaphore(%arg12 : memref<!tpu.dma_semaphore, #tpu.memory_space<semaphore_mem>>) src(%dma_wait3A_816 : memref<100000x128xf32, #tpu.memory_space<hbm>>) dst(%dma_wait3A_810 : memref<128x128xf32, #tpu.memory_space<vmem>>)
      %mul3A_817 = arith.constant 1 : i32
      %mul3A_818 = arith.muli %add3A_766, %mul3A_817 : i32
      %dma_start3A_819 = arith.constant 5 : i32
      %dma_start3A_820 = arith.constant 0 : i32
      %dma_start3A_821 = arith.constant 0 : i32
      %dma_start3A_822 = arith.constant 0 : i32
      %dma_start3A_823 = tpu.memref_slice %arg6[%dma_start3A_819, %dma_start3A_820, %dma_start3A_821, %dma_start3A_822] : memref<7x1x128x128xf32, #tpu.memory_space<vmem>> -> memref<1x1x128x128xf32, #tpu.memory_space<vmem>>
      %dma_start3A_824 = tpu.memref_squeeze %dma_start3A_823 : memref<1x1x128x128xf32, #tpu.memory_space<vmem>> -> memref<1x128x128xf32, #tpu.memory_space<vmem>>
      %dma_start3A_825 = arith.constant 0 : i32
      %dma_start3A_826 = tpu.memref_slice %arg4[%mul3A_818, %mul3A_2, %dma_start3A_825] : memref<50x4096x128xf32, #tpu.memory_space<hbm>> -> memref<1x128x128xf32, #tpu.memory_space<hbm>>
      %dma_start3A_827 = arith.constant 0 : i32
      %dma_start3A_828 = tpu.memref_slice %arg4[%mul3A_818, %mul3A_2, %dma_start3A_827] : memref<50x4096x128xf32, #tpu.memory_space<hbm>> -> memref<1x128x128xf32, #tpu.memory_space<hbm>>
      %dma_start3A_829 = arith.constant 0 : i32
      %dma_start3A_830 = arith.constant 0 : i32
      %dma_start3A_831 = arith.constant 0 : i32
      %dma_start3A_832 = tpu.memref_slice %arg6[%dma_start3A_819, %dma_start3A_829, %dma_start3A_830, %dma_start3A_831] : memref<7x1x128x128xf32, #tpu.memory_space<vmem>> -> memref<1x1x128x128xf32, #tpu.memory_space<vmem>>
      %dma_start3A_833 = tpu.memref_squeeze %dma_start3A_832 : memref<1x1x128x128xf32, #tpu.memory_space<vmem>> -> memref<1x128x128xf32, #tpu.memory_space<vmem>>
      tpu.enqueue_dma source(%dma_start3A_833 : memref<1x128x128xf32, #tpu.memory_space<vmem>>) target(%dma_start3A_828 : memref<1x128x128xf32, #tpu.memory_space<hbm>>) target_semaphore(%arg19 : memref<!tpu.dma_semaphore, #tpu.memory_space<semaphore_mem>>)
      %add3A_834 = arith.constant 5 : i32
      %add3A_835 = arith.addi %add3A_489, %add3A_834 : i32
      %dma_wait3A_836 = arith.constant 5 : i32
      %dma_wait3A_837 = arith.constant 0 : i32
      %dma_wait3A_838 = arith.constant 0 : i32
      %dma_wait3A_839 = arith.constant 0 : i32
      %dma_wait3A_840 = tpu.memref_slice %arg6[%dma_wait3A_836, %dma_wait3A_837, %dma_wait3A_838, %dma_wait3A_839] : memref<7x1x128x128xf32, #tpu.memory_space<vmem>> -> memref<1x1x128x128xf32, #tpu.memory_space<vmem>>
      %dma_wait3A_841 = tpu.memref_squeeze %dma_wait3A_840 : memref<1x1x128x128xf32, #tpu.memory_space<vmem>> -> memref<1x128x128xf32, #tpu.memory_space<vmem>>
      %dma_wait3A_842 = arith.constant 0 : i32
      %dma_wait3A_843 = arith.constant 0 : i32
      %dma_wait3A_844 = tpu.memref_slice %arg4[%dma_wait3A_842, %mul3A_2, %dma_wait3A_843] : memref<50x4096x128xf32, #tpu.memory_space<hbm>> -> memref<1x128x128xf32, #tpu.memory_space<hbm>>
      %dma_wait3A_845 = arith.constant 0 : i32
      %dma_wait3A_846 = arith.constant 0 : i32
      %dma_wait3A_847 = tpu.memref_slice %arg4[%dma_wait3A_845, %mul3A_2, %dma_wait3A_846] : memref<50x4096x128xf32, #tpu.memory_space<hbm>> -> memref<1x128x128xf32, #tpu.memory_space<hbm>>
      %dma_wait3A_848 = arith.constant 0 : i32
      %dma_wait3A_849 = arith.constant 0 : i32
      %dma_wait3A_850 = arith.constant 0 : i32
      %dma_wait3A_851 = tpu.memref_slice %arg6[%dma_wait3A_836, %dma_wait3A_848, %dma_wait3A_849, %dma_wait3A_850] : memref<7x1x128x128xf32, #tpu.memory_space<vmem>> -> memref<1x1x128x128xf32, #tpu.memory_space<vmem>>
      %dma_wait3A_852 = tpu.memref_squeeze %dma_wait3A_851 : memref<1x1x128x128xf32, #tpu.memory_space<vmem>> -> memref<1x128x128xf32, #tpu.memory_space<vmem>>
      tpu.wait_dma2 semaphore(%arg19 : memref<!tpu.dma_semaphore, #tpu.memory_space<semaphore_mem>>) src(%dma_wait3A_852 : memref<1x128x128xf32, #tpu.memory_space<vmem>>) dst(%dma_wait3A_847 : memref<1x128x128xf32, #tpu.memory_space<hbm>>)
      %add3A_853 = arith.constant 7 : i32
      %add3A_854 = arith.addi %add3A_835, %add3A_853 : i32
      %sub3A_855 = arith.constant 1 : i32
      %sub3A_856 = arith.subi %add3A_854, %sub3A_855 : i32
      %mul3A_857 = arith.constant 1 : i32
      %mul3A_858 = arith.muli %sub3A_856, %mul3A_857 : i32
      %add3A_859 = arith.constant 0 : i32
      %add3A_860 = arith.addi %mul3A_858, %add3A_859 : i32
      %dma_start3A_861 = arith.constant 5 : i32
      %dma_start3A_862 = arith.constant 0 : i32
      %dma_start3A_863 = arith.constant 0 : i32
      %dma_start3A_864 = arith.constant 0 : i32
      %dma_start3A_865 = tpu.memref_slice %arg6[%dma_start3A_861, %dma_start3A_862, %dma_start3A_863, %dma_start3A_864] : memref<7x1x128x128xf32, #tpu.memory_space<vmem>> -> memref<1x1x128x128xf32, #tpu.memory_space<vmem>>
      %dma_start3A_866 = tpu.memref_squeeze %dma_start3A_865 : memref<1x1x128x128xf32, #tpu.memory_space<vmem>> -> memref<128x128xf32, #tpu.memory_space<vmem>>
      %dma_start3A_867 = arith.constant 0 : i32
      %dma_start3A_868 = tpu.memref_slice %arg5[%add3A_860, %dma_start3A_867] : memref<50x128xi32, #tpu.memory_space<vmem>> -> memref<1x128xi32, #tpu.memory_space<vmem>>
      %dma_start3A_869 = tpu.memref_squeeze %dma_start3A_868 : memref<1x128xi32, #tpu.memory_space<vmem>> -> memref<128xi32, #tpu.memory_space<vmem>>
      %dma_start3A_870 = arith.constant 0 : i32
      %dma_start3A_871 = arith.constant 0 : i32
      %dma_start3A_872 = tpu.memref_slice %arg2[%dma_start3A_870, %dma_start3A_871] : memref<100000x128xf32, #tpu.memory_space<hbm>> -> memref<100000x128xf32, #tpu.memory_space<hbm>>
      tpu.enqueue_indirect_dma source(%dma_start3A_872 : memref<100000x128xf32, #tpu.memory_space<hbm>>) target(%dma_start3A_866 : memref<128x128xf32, #tpu.memory_space<vmem>>) offsets(%dma_start3A_869 : memref<128xi32, #tpu.memory_space<vmem>>) semaphore(%arg12 : memref<!tpu.dma_semaphore, #tpu.memory_space<semaphore_mem>>)
      %dma_wait3A_873 = arith.constant 0 : i32
      %dma_wait3A_874 = arith.constant 6 : i32
      %dma_wait3A_875 = arith.constant 0 : i32
      %dma_wait3A_876 = arith.constant 0 : i32
      %dma_wait3A_877 = arith.constant 0 : i32
      %dma_wait3A_878 = tpu.memref_slice %arg6[%dma_wait3A_874, %dma_wait3A_875, %dma_wait3A_876, %dma_wait3A_877] : memref<7x1x128x128xf32, #tpu.memory_space<vmem>> -> memref<1x1x128x128xf32, #tpu.memory_space<vmem>>
      %dma_wait3A_879 = tpu.memref_squeeze %dma_wait3A_878 : memref<1x1x128x128xf32, #tpu.memory_space<vmem>> -> memref<128x128xf32, #tpu.memory_space<vmem>>
      %dma_wait3A_880 = arith.constant 0 : i32
      %dma_wait3A_881 = tpu.memref_slice %arg5[%dma_wait3A_873, %dma_wait3A_880] : memref<50x128xi32, #tpu.memory_space<vmem>> -> memref<1x128xi32, #tpu.memory_space<vmem>>
      %dma_wait3A_882 = tpu.memref_squeeze %dma_wait3A_881 : memref<1x128xi32, #tpu.memory_space<vmem>> -> memref<128xi32, #tpu.memory_space<vmem>>
      %dma_wait3A_883 = arith.constant 0 : i32
      %dma_wait3A_884 = arith.constant 0 : i32
      %dma_wait3A_885 = tpu.memref_slice %arg2[%dma_wait3A_883, %dma_wait3A_884] : memref<100000x128xf32, #tpu.memory_space<hbm>> -> memref<100000x128xf32, #tpu.memory_space<hbm>>
      tpu.wait_indirect_dma semaphore(%arg13 : memref<!tpu.dma_semaphore, #tpu.memory_space<semaphore_mem>>) src(%dma_wait3A_885 : memref<100000x128xf32, #tpu.memory_space<hbm>>) dst(%dma_wait3A_879 : memref<128x128xf32, #tpu.memory_space<vmem>>)
      %mul3A_886 = arith.constant 1 : i32
      %mul3A_887 = arith.muli %add3A_835, %mul3A_886 : i32
      %dma_start3A_888 = arith.constant 6 : i32
      %dma_start3A_889 = arith.constant 0 : i32
      %dma_start3A_890 = arith.constant 0 : i32
      %dma_start3A_891 = arith.constant 0 : i32
      %dma_start3A_892 = tpu.memref_slice %arg6[%dma_start3A_888, %dma_start3A_889, %dma_start3A_890, %dma_start3A_891] : memref<7x1x128x128xf32, #tpu.memory_space<vmem>> -> memref<1x1x128x128xf32, #tpu.memory_space<vmem>>
      %dma_start3A_893 = tpu.memref_squeeze %dma_start3A_892 : memref<1x1x128x128xf32, #tpu.memory_space<vmem>> -> memref<1x128x128xf32, #tpu.memory_space<vmem>>
      %dma_start3A_894 = arith.constant 0 : i32
      %dma_start3A_895 = tpu.memref_slice %arg4[%mul3A_887, %mul3A_2, %dma_start3A_894] : memref<50x4096x128xf32, #tpu.memory_space<hbm>> -> memref<1x128x128xf32, #tpu.memory_space<hbm>>
      %dma_start3A_896 = arith.constant 0 : i32
      %dma_start3A_897 = tpu.memref_slice %arg4[%mul3A_887, %mul3A_2, %dma_start3A_896] : memref<50x4096x128xf32, #tpu.memory_space<hbm>> -> memref<1x128x128xf32, #tpu.memory_space<hbm>>
      %dma_start3A_898 = arith.constant 0 : i32
      %dma_start3A_899 = arith.constant 0 : i32
      %dma_start3A_900 = arith.constant 0 : i32
      %dma_start3A_901 = tpu.memref_slice %arg6[%dma_start3A_888, %dma_start3A_898, %dma_start3A_899, %dma_start3A_900] : memref<7x1x128x128xf32, #tpu.memory_space<vmem>> -> memref<1x1x128x128xf32, #tpu.memory_space<vmem>>
      %dma_start3A_902 = tpu.memref_squeeze %dma_start3A_901 : memref<1x1x128x128xf32, #tpu.memory_space<vmem>> -> memref<1x128x128xf32, #tpu.memory_space<vmem>>
      tpu.enqueue_dma source(%dma_start3A_902 : memref<1x128x128xf32, #tpu.memory_space<vmem>>) target(%dma_start3A_897 : memref<1x128x128xf32, #tpu.memory_space<hbm>>) target_semaphore(%arg20 : memref<!tpu.dma_semaphore, #tpu.memory_space<semaphore_mem>>)
      %add3A_903 = arith.constant 6 : i32
      %add3A_904 = arith.addi %add3A_489, %add3A_903 : i32
      %dma_wait3A_905 = arith.constant 6 : i32
      %dma_wait3A_906 = arith.constant 0 : i32
      %dma_wait3A_907 = arith.constant 0 : i32
      %dma_wait3A_908 = arith.constant 0 : i32
      %dma_wait3A_909 = tpu.memref_slice %arg6[%dma_wait3A_905, %dma_wait3A_906, %dma_wait3A_907, %dma_wait3A_908] : memref<7x1x128x128xf32, #tpu.memory_space<vmem>> -> memref<1x1x128x128xf32, #tpu.memory_space<vmem>>
      %dma_wait3A_910 = tpu.memref_squeeze %dma_wait3A_909 : memref<1x1x128x128xf32, #tpu.memory_space<vmem>> -> memref<1x128x128xf32, #tpu.memory_space<vmem>>
      %dma_wait3A_911 = arith.constant 0 : i32
      %dma_wait3A_912 = arith.constant 0 : i32
      %dma_wait3A_913 = tpu.memref_slice %arg4[%dma_wait3A_911, %mul3A_2, %dma_wait3A_912] : memref<50x4096x128xf32, #tpu.memory_space<hbm>> -> memref<1x128x128xf32, #tpu.memory_space<hbm>>
      %dma_wait3A_914 = arith.constant 0 : i32
      %dma_wait3A_915 = arith.constant 0 : i32
      %dma_wait3A_916 = tpu.memref_slice %arg4[%dma_wait3A_914, %mul3A_2, %dma_wait3A_915] : memref<50x4096x128xf32, #tpu.memory_space<hbm>> -> memref<1x128x128xf32, #tpu.memory_space<hbm>>
      %dma_wait3A_917 = arith.constant 0 : i32
      %dma_wait3A_918 = arith.constant 0 : i32
      %dma_wait3A_919 = arith.constant 0 : i32
      %dma_wait3A_920 = tpu.memref_slice %arg6[%dma_wait3A_905, %dma_wait3A_917, %dma_wait3A_918, %dma_wait3A_919] : memref<7x1x128x128xf32, #tpu.memory_space<vmem>> -> memref<1x1x128x128xf32, #tpu.memory_space<vmem>>
      %dma_wait3A_921 = tpu.memref_squeeze %dma_wait3A_920 : memref<1x1x128x128xf32, #tpu.memory_space<vmem>> -> memref<1x128x128xf32, #tpu.memory_space<vmem>>
      tpu.wait_dma2 semaphore(%arg20 : memref<!tpu.dma_semaphore, #tpu.memory_space<semaphore_mem>>) src(%dma_wait3A_921 : memref<1x128x128xf32, #tpu.memory_space<vmem>>) dst(%dma_wait3A_916 : memref<1x128x128xf32, #tpu.memory_space<hbm>>)
      %add3A_922 = arith.constant 7 : i32
      %add3A_923 = arith.addi %add3A_904, %add3A_922 : i32
      %sub3A_924 = arith.constant 1 : i32
      %sub3A_925 = arith.subi %add3A_923, %sub3A_924 : i32
      %mul3A_926 = arith.constant 1 : i32
      %mul3A_927 = arith.muli %sub3A_925, %mul3A_926 : i32
      %add3A_928 = arith.constant 0 : i32
      %add3A_929 = arith.addi %mul3A_927, %add3A_928 : i32
      %dma_start3A_930 = arith.constant 6 : i32
      %dma_start3A_931 = arith.constant 0 : i32
      %dma_start3A_932 = arith.constant 0 : i32
      %dma_start3A_933 = arith.constant 0 : i32
      %dma_start3A_934 = tpu.memref_slice %arg6[%dma_start3A_930, %dma_start3A_931, %dma_start3A_932, %dma_start3A_933] : memref<7x1x128x128xf32, #tpu.memory_space<vmem>> -> memref<1x1x128x128xf32, #tpu.memory_space<vmem>>
      %dma_start3A_935 = tpu.memref_squeeze %dma_start3A_934 : memref<1x1x128x128xf32, #tpu.memory_space<vmem>> -> memref<128x128xf32, #tpu.memory_space<vmem>>
      %dma_start3A_936 = arith.constant 0 : i32
      %dma_start3A_937 = tpu.memref_slice %arg5[%add3A_929, %dma_start3A_936] : memref<50x128xi32, #tpu.memory_space<vmem>> -> memref<1x128xi32, #tpu.memory_space<vmem>>
      %dma_start3A_938 = tpu.memref_squeeze %dma_start3A_937 : memref<1x128xi32, #tpu.memory_space<vmem>> -> memref<128xi32, #tpu.memory_space<vmem>>
      %dma_start3A_939 = arith.constant 0 : i32
      %dma_start3A_940 = arith.constant 0 : i32
      %dma_start3A_941 = tpu.memref_slice %arg2[%dma_start3A_939, %dma_start3A_940] : memref<100000x128xf32, #tpu.memory_space<hbm>> -> memref<100000x128xf32, #tpu.memory_space<hbm>>
      tpu.enqueue_indirect_dma source(%dma_start3A_941 : memref<100000x128xf32, #tpu.memory_space<hbm>>) target(%dma_start3A_935 : memref<128x128xf32, #tpu.memory_space<vmem>>) offsets(%dma_start3A_938 : memref<128xi32, #tpu.memory_space<vmem>>) semaphore(%arg13 : memref<!tpu.dma_semaphore, #tpu.memory_space<semaphore_mem>>)
      %dma_wait3A_942 = arith.constant 0 : i32
      %dma_wait3A_943 = arith.constant 0 : i32
      %dma_wait3A_944 = arith.constant 0 : i32
      %dma_wait3A_945 = arith.constant 0 : i32
      %dma_wait3A_946 = arith.constant 0 : i32
      %dma_wait3A_947 = tpu.memref_slice %arg6[%dma_wait3A_943, %dma_wait3A_944, %dma_wait3A_945, %dma_wait3A_946] : memref<7x1x128x128xf32, #tpu.memory_space<vmem>> -> memref<1x1x128x128xf32, #tpu.memory_space<vmem>>
      %dma_wait3A_948 = tpu.memref_squeeze %dma_wait3A_947 : memref<1x1x128x128xf32, #tpu.memory_space<vmem>> -> memref<128x128xf32, #tpu.memory_space<vmem>>
      %dma_wait3A_949 = arith.constant 0 : i32
      %dma_wait3A_950 = tpu.memref_slice %arg5[%dma_wait3A_942, %dma_wait3A_949] : memref<50x128xi32, #tpu.memory_space<vmem>> -> memref<1x128xi32, #tpu.memory_space<vmem>>
      %dma_wait3A_951 = tpu.memref_squeeze %dma_wait3A_950 : memref<1x128xi32, #tpu.memory_space<vmem>> -> memref<128xi32, #tpu.memory_space<vmem>>
      %dma_wait3A_952 = arith.constant 0 : i32
      %dma_wait3A_953 = arith.constant 0 : i32
      %dma_wait3A_954 = tpu.memref_slice %arg2[%dma_wait3A_952, %dma_wait3A_953] : memref<100000x128xf32, #tpu.memory_space<hbm>> -> memref<100000x128xf32, #tpu.memory_space<hbm>>
      tpu.wait_indirect_dma semaphore(%arg7 : memref<!tpu.dma_semaphore, #tpu.memory_space<semaphore_mem>>) src(%dma_wait3A_954 : memref<100000x128xf32, #tpu.memory_space<hbm>>) dst(%dma_wait3A_948 : memref<128x128xf32, #tpu.memory_space<vmem>>)
      %mul3A_955 = arith.constant 1 : i32
      %mul3A_956 = arith.muli %add3A_904, %mul3A_955 : i32
      %dma_start3A_957 = arith.constant 0 : i32
      %dma_start3A_958 = arith.constant 0 : i32
      %dma_start3A_959 = arith.constant 0 : i32
      %dma_start3A_960 = arith.constant 0 : i32
      %dma_start3A_961 = tpu.memref_slice %arg6[%dma_start3A_957, %dma_start3A_958, %dma_start3A_959, %dma_start3A_960] : memref<7x1x128x128xf32, #tpu.memory_space<vmem>> -> memref<1x1x128x128xf32, #tpu.memory_space<vmem>>
      %dma_start3A_962 = tpu.memref_squeeze %dma_start3A_961 : memref<1x1x128x128xf32, #tpu.memory_space<vmem>> -> memref<1x128x128xf32, #tpu.memory_space<vmem>>
      %dma_start3A_963 = arith.constant 0 : i32
      %dma_start3A_964 = tpu.memref_slice %arg4[%mul3A_956, %mul3A_2, %dma_start3A_963] : memref<50x4096x128xf32, #tpu.memory_space<hbm>> -> memref<1x128x128xf32, #tpu.memory_space<hbm>>
      %dma_start3A_965 = arith.constant 0 : i32
      %dma_start3A_966 = tpu.memref_slice %arg4[%mul3A_956, %mul3A_2, %dma_start3A_965] : memref<50x4096x128xf32, #tpu.memory_space<hbm>> -> memref<1x128x128xf32, #tpu.memory_space<hbm>>
      %dma_start3A_967 = arith.constant 0 : i32
      %dma_start3A_968 = arith.constant 0 : i32
      %dma_start3A_969 = arith.constant 0 : i32
      %dma_start3A_970 = tpu.memref_slice %arg6[%dma_start3A_957, %dma_start3A_967, %dma_start3A_968, %dma_start3A_969] : memref<7x1x128x128xf32, #tpu.memory_space<vmem>> -> memref<1x1x128x128xf32, #tpu.memory_space<vmem>>
      %dma_start3A_971 = tpu.memref_squeeze %dma_start3A_970 : memref<1x1x128x128xf32, #tpu.memory_space<vmem>> -> memref<1x128x128xf32, #tpu.memory_space<vmem>>
      tpu.enqueue_dma source(%dma_start3A_971 : memref<1x128x128xf32, #tpu.memory_space<vmem>>) target(%dma_start3A_966 : memref<1x128x128xf32, #tpu.memory_space<hbm>>) target_semaphore(%arg14 : memref<!tpu.dma_semaphore, #tpu.memory_space<semaphore_mem>>)
    }
    %scan3A_125 = arith.constant 6 : i32
    %dma_wait3A_126 = arith.constant 0 : i32
    %dma_wait3A_127 = arith.constant 0 : i32
    %dma_wait3A_128 = arith.constant 0 : i32
    %dma_wait3A_129 = arith.constant 0 : i32
    %dma_wait3A_130 = tpu.memref_slice %arg6[%dma_wait3A_126, %dma_wait3A_127, %dma_wait3A_128, %dma_wait3A_129] : memref<7x1x128x128xf32, #tpu.memory_space<vmem>> -> memref<1x1x128x128xf32, #tpu.memory_space<vmem>>
    %dma_wait3A_131 = tpu.memref_squeeze %dma_wait3A_130 : memref<1x1x128x128xf32, #tpu.memory_space<vmem>> -> memref<1x128x128xf32, #tpu.memory_space<vmem>>
    %dma_wait3A_132 = arith.constant 0 : i32
    %dma_wait3A_133 = arith.constant 0 : i32
    %dma_wait3A_134 = tpu.memref_slice %arg4[%dma_wait3A_132, %mul3A_2, %dma_wait3A_133] : memref<50x4096x128xf32, #tpu.memory_space<hbm>> -> memref<1x128x128xf32, #tpu.memory_space<hbm>>
    %dma_wait3A_135 = arith.constant 0 : i32
    %dma_wait3A_136 = arith.constant 0 : i32
    %dma_wait3A_137 = tpu.memref_slice %arg4[%dma_wait3A_135, %mul3A_2, %dma_wait3A_136] : memref<50x4096x128xf32, #tpu.memory_space<hbm>> -> memref<1x128x128xf32, #tpu.memory_space<hbm>>
    %dma_wait3A_138 = arith.constant 0 : i32
    %dma_wait3A_139 = arith.constant 0 : i32
    %dma_wait3A_140 = arith.constant 0 : i32
    %dma_wait3A_141 = tpu.memref_slice %arg6[%dma_wait3A_126, %dma_wait3A_138, %dma_wait3A_139, %dma_wait3A_140] : memref<7x1x128x128xf32, #tpu.memory_space<vmem>> -> memref<1x1x128x128xf32, #tpu.memory_space<vmem>>
    %dma_wait3A_142 = tpu.memref_squeeze %dma_wait3A_141 : memref<1x1x128x128xf32, #tpu.memory_space<vmem>> -> memref<1x128x128xf32, #tpu.memory_space<vmem>>
    tpu.wait_dma2 semaphore(%arg14 : memref<!tpu.dma_semaphore, #tpu.memory_space<semaphore_mem>>) src(%dma_wait3A_142 : memref<1x128x128xf32, #tpu.memory_space<vmem>>) dst(%dma_wait3A_137 : memref<1x128x128xf32, #tpu.memory_space<hbm>>)
    %dma_start3A_143 = arith.constant 49 : i32
    %dma_start3A_144 = arith.constant 0 : i32
    %dma_start3A_145 = arith.constant 0 : i32
    %dma_start3A_146 = arith.constant 0 : i32
    %dma_start3A_147 = arith.constant 0 : i32
    %dma_start3A_148 = tpu.memref_slice %arg6[%dma_start3A_144, %dma_start3A_145, %dma_start3A_146, %dma_start3A_147] : memref<7x1x128x128xf32, #tpu.memory_space<vmem>> -> memref<1x1x128x128xf32, #tpu.memory_space<vmem>>
    %dma_start3A_149 = tpu.memref_squeeze %dma_start3A_148 : memref<1x1x128x128xf32, #tpu.memory_space<vmem>> -> memref<128x128xf32, #tpu.memory_space<vmem>>
    %dma_start3A_150 = arith.constant 0 : i32
    %dma_start3A_151 = tpu.memref_slice %arg5[%dma_start3A_143, %dma_start3A_150] : memref<50x128xi32, #tpu.memory_space<vmem>> -> memref<1x128xi32, #tpu.memory_space<vmem>>
    %dma_start3A_152 = tpu.memref_squeeze %dma_start3A_151 : memref<1x128xi32, #tpu.memory_space<vmem>> -> memref<128xi32, #tpu.memory_space<vmem>>
    %dma_start3A_153 = arith.constant 0 : i32
    %dma_start3A_154 = arith.constant 0 : i32
    %dma_start3A_155 = tpu.memref_slice %arg2[%dma_start3A_153, %dma_start3A_154] : memref<100000x128xf32, #tpu.memory_space<hbm>> -> memref<100000x128xf32, #tpu.memory_space<hbm>>
    tpu.enqueue_indirect_dma source(%dma_start3A_155 : memref<100000x128xf32, #tpu.memory_space<hbm>>) target(%dma_start3A_149 : memref<128x128xf32, #tpu.memory_space<vmem>>) offsets(%dma_start3A_152 : memref<128xi32, #tpu.memory_space<vmem>>) semaphore(%arg7 : memref<!tpu.dma_semaphore, #tpu.memory_space<semaphore_mem>>)
    %dma_wait3A_156 = arith.constant 0 : i32
    %dma_wait3A_157 = arith.constant 1 : i32
    %dma_wait3A_158 = arith.constant 0 : i32
    %dma_wait3A_159 = arith.constant 0 : i32
    %dma_wait3A_160 = arith.constant 0 : i32
    %dma_wait3A_161 = tpu.memref_slice %arg6[%dma_wait3A_157, %dma_wait3A_158, %dma_wait3A_159, %dma_wait3A_160] : memref<7x1x128x128xf32, #tpu.memory_space<vmem>> -> memref<1x1x128x128xf32, #tpu.memory_space<vmem>>
    %dma_wait3A_162 = tpu.memref_squeeze %dma_wait3A_161 : memref<1x1x128x128xf32, #tpu.memory_space<vmem>> -> memref<128x128xf32, #tpu.memory_space<vmem>>
    %dma_wait3A_163 = arith.constant 0 : i32
    %dma_wait3A_164 = tpu.memref_slice %arg5[%dma_wait3A_156, %dma_wait3A_163] : memref<50x128xi32, #tpu.memory_space<vmem>> -> memref<1x128xi32, #tpu.memory_space<vmem>>
    %dma_wait3A_165 = tpu.memref_squeeze %dma_wait3A_164 : memref<1x128xi32, #tpu.memory_space<vmem>> -> memref<128xi32, #tpu.memory_space<vmem>>
    %dma_wait3A_166 = arith.constant 0 : i32
    %dma_wait3A_167 = arith.constant 0 : i32
    %dma_wait3A_168 = tpu.memref_slice %arg2[%dma_wait3A_166, %dma_wait3A_167] : memref<100000x128xf32, #tpu.memory_space<hbm>> -> memref<100000x128xf32, #tpu.memory_space<hbm>>
    tpu.wait_indirect_dma semaphore(%arg8 : memref<!tpu.dma_semaphore, #tpu.memory_space<semaphore_mem>>) src(%dma_wait3A_168 : memref<100000x128xf32, #tpu.memory_space<hbm>>) dst(%dma_wait3A_162 : memref<128x128xf32, #tpu.memory_space<vmem>>)
    %dma_start3A_169 = arith.constant 1 : i32
    %dma_start3A_170 = arith.constant 0 : i32
    %dma_start3A_171 = arith.constant 0 : i32
    %dma_start3A_172 = arith.constant 0 : i32
    %dma_start3A_173 = tpu.memref_slice %arg6[%dma_start3A_169, %dma_start3A_170, %dma_start3A_171, %dma_start3A_172] : memref<7x1x128x128xf32, #tpu.memory_space<vmem>> -> memref<1x1x128x128xf32, #tpu.memory_space<vmem>>
    %dma_start3A_174 = tpu.memref_squeeze %dma_start3A_173 : memref<1x1x128x128xf32, #tpu.memory_space<vmem>> -> memref<1x128x128xf32, #tpu.memory_space<vmem>>
    %dma_start3A_175 = arith.constant 43 : i32
    %dma_start3A_176 = arith.constant 0 : i32
    %dma_start3A_177 = tpu.memref_slice %arg4[%dma_start3A_175, %mul3A_2, %dma_start3A_176] : memref<50x4096x128xf32, #tpu.memory_space<hbm>> -> memref<1x128x128xf32, #tpu.memory_space<hbm>>
    %dma_start3A_178 = arith.constant 43 : i32
    %dma_start3A_179 = arith.constant 0 : i32
    %dma_start3A_180 = tpu.memref_slice %arg4[%dma_start3A_178, %mul3A_2, %dma_start3A_179] : memref<50x4096x128xf32, #tpu.memory_space<hbm>> -> memref<1x128x128xf32, #tpu.memory_space<hbm>>
    %dma_start3A_181 = arith.constant 0 : i32
    %dma_start3A_182 = arith.constant 0 : i32
    %dma_start3A_183 = arith.constant 0 : i32
    %dma_start3A_184 = tpu.memref_slice %arg6[%dma_start3A_169, %dma_start3A_181, %dma_start3A_182, %dma_start3A_183] : memref<7x1x128x128xf32, #tpu.memory_space<vmem>> -> memref<1x1x128x128xf32, #tpu.memory_space<vmem>>
    %dma_start3A_185 = tpu.memref_squeeze %dma_start3A_184 : memref<1x1x128x128xf32, #tpu.memory_space<vmem>> -> memref<1x128x128xf32, #tpu.memory_space<vmem>>
    tpu.enqueue_dma source(%dma_start3A_185 : memref<1x128x128xf32, #tpu.memory_space<vmem>>) target(%dma_start3A_180 : memref<1x128x128xf32, #tpu.memory_space<hbm>>) target_semaphore(%arg15 : memref<!tpu.dma_semaphore, #tpu.memory_space<semaphore_mem>>)
    %dma_wait3A_186 = arith.constant 0 : i32
    %dma_wait3A_187 = arith.constant 2 : i32
    %dma_wait3A_188 = arith.constant 0 : i32
    %dma_wait3A_189 = arith.constant 0 : i32
    %dma_wait3A_190 = arith.constant 0 : i32
    %dma_wait3A_191 = tpu.memref_slice %arg6[%dma_wait3A_187, %dma_wait3A_188, %dma_wait3A_189, %dma_wait3A_190] : memref<7x1x128x128xf32, #tpu.memory_space<vmem>> -> memref<1x1x128x128xf32, #tpu.memory_space<vmem>>
    %dma_wait3A_192 = tpu.memref_squeeze %dma_wait3A_191 : memref<1x1x128x128xf32, #tpu.memory_space<vmem>> -> memref<128x128xf32, #tpu.memory_space<vmem>>
    %dma_wait3A_193 = arith.constant 0 : i32
    %dma_wait3A_194 = tpu.memref_slice %arg5[%dma_wait3A_186, %dma_wait3A_193] : memref<50x128xi32, #tpu.memory_space<vmem>> -> memref<1x128xi32, #tpu.memory_space<vmem>>
    %dma_wait3A_195 = tpu.memref_squeeze %dma_wait3A_194 : memref<1x128xi32, #tpu.memory_space<vmem>> -> memref<128xi32, #tpu.memory_space<vmem>>
    %dma_wait3A_196 = arith.constant 0 : i32
    %dma_wait3A_197 = arith.constant 0 : i32
    %dma_wait3A_198 = tpu.memref_slice %arg2[%dma_wait3A_196, %dma_wait3A_197] : memref<100000x128xf32, #tpu.memory_space<hbm>> -> memref<100000x128xf32, #tpu.memory_space<hbm>>
    tpu.wait_indirect_dma semaphore(%arg9 : memref<!tpu.dma_semaphore, #tpu.memory_space<semaphore_mem>>) src(%dma_wait3A_198 : memref<100000x128xf32, #tpu.memory_space<hbm>>) dst(%dma_wait3A_192 : memref<128x128xf32, #tpu.memory_space<vmem>>)
    %dma_start3A_199 = arith.constant 2 : i32
    %dma_start3A_200 = arith.constant 0 : i32
    %dma_start3A_201 = arith.constant 0 : i32
    %dma_start3A_202 = arith.constant 0 : i32
    %dma_start3A_203 = tpu.memref_slice %arg6[%dma_start3A_199, %dma_start3A_200, %dma_start3A_201, %dma_start3A_202] : memref<7x1x128x128xf32, #tpu.memory_space<vmem>> -> memref<1x1x128x128xf32, #tpu.memory_space<vmem>>
    %dma_start3A_204 = tpu.memref_squeeze %dma_start3A_203 : memref<1x1x128x128xf32, #tpu.memory_space<vmem>> -> memref<1x128x128xf32, #tpu.memory_space<vmem>>
    %dma_start3A_205 = arith.constant 44 : i32
    %dma_start3A_206 = arith.constant 0 : i32
    %dma_start3A_207 = tpu.memref_slice %arg4[%dma_start3A_205, %mul3A_2, %dma_start3A_206] : memref<50x4096x128xf32, #tpu.memory_space<hbm>> -> memref<1x128x128xf32, #tpu.memory_space<hbm>>
    %dma_start3A_208 = arith.constant 44 : i32
    %dma_start3A_209 = arith.constant 0 : i32
    %dma_start3A_210 = tpu.memref_slice %arg4[%dma_start3A_208, %mul3A_2, %dma_start3A_209] : memref<50x4096x128xf32, #tpu.memory_space<hbm>> -> memref<1x128x128xf32, #tpu.memory_space<hbm>>
    %dma_start3A_211 = arith.constant 0 : i32
    %dma_start3A_212 = arith.constant 0 : i32
    %dma_start3A_213 = arith.constant 0 : i32
    %dma_start3A_214 = tpu.memref_slice %arg6[%dma_start3A_199, %dma_start3A_211, %dma_start3A_212, %dma_start3A_213] : memref<7x1x128x128xf32, #tpu.memory_space<vmem>> -> memref<1x1x128x128xf32, #tpu.memory_space<vmem>>
    %dma_start3A_215 = tpu.memref_squeeze %dma_start3A_214 : memref<1x1x128x128xf32, #tpu.memory_space<vmem>> -> memref<1x128x128xf32, #tpu.memory_space<vmem>>
    tpu.enqueue_dma source(%dma_start3A_215 : memref<1x128x128xf32, #tpu.memory_space<vmem>>) target(%dma_start3A_210 : memref<1x128x128xf32, #tpu.memory_space<hbm>>) target_semaphore(%arg16 : memref<!tpu.dma_semaphore, #tpu.memory_space<semaphore_mem>>)
    %dma_wait3A_216 = arith.constant 0 : i32
    %dma_wait3A_217 = arith.constant 3 : i32
    %dma_wait3A_218 = arith.constant 0 : i32
    %dma_wait3A_219 = arith.constant 0 : i32
    %dma_wait3A_220 = arith.constant 0 : i32
    %dma_wait3A_221 = tpu.memref_slice %arg6[%dma_wait3A_217, %dma_wait3A_218, %dma_wait3A_219, %dma_wait3A_220] : memref<7x1x128x128xf32, #tpu.memory_space<vmem>> -> memref<1x1x128x128xf32, #tpu.memory_space<vmem>>
    %dma_wait3A_222 = tpu.memref_squeeze %dma_wait3A_221 : memref<1x1x128x128xf32, #tpu.memory_space<vmem>> -> memref<128x128xf32, #tpu.memory_space<vmem>>
    %dma_wait3A_223 = arith.constant 0 : i32
    %dma_wait3A_224 = tpu.memref_slice %arg5[%dma_wait3A_216, %dma_wait3A_223] : memref<50x128xi32, #tpu.memory_space<vmem>> -> memref<1x128xi32, #tpu.memory_space<vmem>>
    %dma_wait3A_225 = tpu.memref_squeeze %dma_wait3A_224 : memref<1x128xi32, #tpu.memory_space<vmem>> -> memref<128xi32, #tpu.memory_space<vmem>>
    %dma_wait3A_226 = arith.constant 0 : i32
    %dma_wait3A_227 = arith.constant 0 : i32
    %dma_wait3A_228 = tpu.memref_slice %arg2[%dma_wait3A_226, %dma_wait3A_227] : memref<100000x128xf32, #tpu.memory_space<hbm>> -> memref<100000x128xf32, #tpu.memory_space<hbm>>
    tpu.wait_indirect_dma semaphore(%arg10 : memref<!tpu.dma_semaphore, #tpu.memory_space<semaphore_mem>>) src(%dma_wait3A_228 : memref<100000x128xf32, #tpu.memory_space<hbm>>) dst(%dma_wait3A_222 : memref<128x128xf32, #tpu.memory_space<vmem>>)
    %dma_start3A_229 = arith.constant 3 : i32
    %dma_start3A_230 = arith.constant 0 : i32
    %dma_start3A_231 = arith.constant 0 : i32
    %dma_start3A_232 = arith.constant 0 : i32
    %dma_start3A_233 = tpu.memref_slice %arg6[%dma_start3A_229, %dma_start3A_230, %dma_start3A_231, %dma_start3A_232] : memref<7x1x128x128xf32, #tpu.memory_space<vmem>> -> memref<1x1x128x128xf32, #tpu.memory_space<vmem>>
    %dma_start3A_234 = tpu.memref_squeeze %dma_start3A_233 : memref<1x1x128x128xf32, #tpu.memory_space<vmem>> -> memref<1x128x128xf32, #tpu.memory_space<vmem>>
    %dma_start3A_235 = arith.constant 45 : i32
    %dma_start3A_236 = arith.constant 0 : i32
    %dma_start3A_237 = tpu.memref_slice %arg4[%dma_start3A_235, %mul3A_2, %dma_start3A_236] : memref<50x4096x128xf32, #tpu.memory_space<hbm>> -> memref<1x128x128xf32, #tpu.memory_space<hbm>>
    %dma_start3A_238 = arith.constant 45 : i32
    %dma_start3A_239 = arith.constant 0 : i32
    %dma_start3A_240 = tpu.memref_slice %arg4[%dma_start3A_238, %mul3A_2, %dma_start3A_239] : memref<50x4096x128xf32, #tpu.memory_space<hbm>> -> memref<1x128x128xf32, #tpu.memory_space<hbm>>
    %dma_start3A_241 = arith.constant 0 : i32
    %dma_start3A_242 = arith.constant 0 : i32
    %dma_start3A_243 = arith.constant 0 : i32
    %dma_start3A_244 = tpu.memref_slice %arg6[%dma_start3A_229, %dma_start3A_241, %dma_start3A_242, %dma_start3A_243] : memref<7x1x128x128xf32, #tpu.memory_space<vmem>> -> memref<1x1x128x128xf32, #tpu.memory_space<vmem>>
    %dma_start3A_245 = tpu.memref_squeeze %dma_start3A_244 : memref<1x1x128x128xf32, #tpu.memory_space<vmem>> -> memref<1x128x128xf32, #tpu.memory_space<vmem>>
    tpu.enqueue_dma source(%dma_start3A_245 : memref<1x128x128xf32, #tpu.memory_space<vmem>>) target(%dma_start3A_240 : memref<1x128x128xf32, #tpu.memory_space<hbm>>) target_semaphore(%arg17 : memref<!tpu.dma_semaphore, #tpu.memory_space<semaphore_mem>>)
    %dma_wait3A_246 = arith.constant 0 : i32
    %dma_wait3A_247 = arith.constant 4 : i32
    %dma_wait3A_248 = arith.constant 0 : i32
    %dma_wait3A_249 = arith.constant 0 : i32
    %dma_wait3A_250 = arith.constant 0 : i32
    %dma_wait3A_251 = tpu.memref_slice %arg6[%dma_wait3A_247, %dma_wait3A_248, %dma_wait3A_249, %dma_wait3A_250] : memref<7x1x128x128xf32, #tpu.memory_space<vmem>> -> memref<1x1x128x128xf32, #tpu.memory_space<vmem>>
    %dma_wait3A_252 = tpu.memref_squeeze %dma_wait3A_251 : memref<1x1x128x128xf32, #tpu.memory_space<vmem>> -> memref<128x128xf32, #tpu.memory_space<vmem>>
    %dma_wait3A_253 = arith.constant 0 : i32
    %dma_wait3A_254 = tpu.memref_slice %arg5[%dma_wait3A_246, %dma_wait3A_253] : memref<50x128xi32, #tpu.memory_space<vmem>> -> memref<1x128xi32, #tpu.memory_space<vmem>>
    %dma_wait3A_255 = tpu.memref_squeeze %dma_wait3A_254 : memref<1x128xi32, #tpu.memory_space<vmem>> -> memref<128xi32, #tpu.memory_space<vmem>>
    %dma_wait3A_256 = arith.constant 0 : i32
    %dma_wait3A_257 = arith.constant 0 : i32
    %dma_wait3A_258 = tpu.memref_slice %arg2[%dma_wait3A_256, %dma_wait3A_257] : memref<100000x128xf32, #tpu.memory_space<hbm>> -> memref<100000x128xf32, #tpu.memory_space<hbm>>
    tpu.wait_indirect_dma semaphore(%arg11 : memref<!tpu.dma_semaphore, #tpu.memory_space<semaphore_mem>>) src(%dma_wait3A_258 : memref<100000x128xf32, #tpu.memory_space<hbm>>) dst(%dma_wait3A_252 : memref<128x128xf32, #tpu.memory_space<vmem>>)
    %dma_start3A_259 = arith.constant 4 : i32
    %dma_start3A_260 = arith.constant 0 : i32
    %dma_start3A_261 = arith.constant 0 : i32
    %dma_start3A_262 = arith.constant 0 : i32
    %dma_start3A_263 = tpu.memref_slice %arg6[%dma_start3A_259, %dma_start3A_260, %dma_start3A_261, %dma_start3A_262] : memref<7x1x128x128xf32, #tpu.memory_space<vmem>> -> memref<1x1x128x128xf32, #tpu.memory_space<vmem>>
    %dma_start3A_264 = tpu.memref_squeeze %dma_start3A_263 : memref<1x1x128x128xf32, #tpu.memory_space<vmem>> -> memref<1x128x128xf32, #tpu.memory_space<vmem>>
    %dma_start3A_265 = arith.constant 46 : i32
    %dma_start3A_266 = arith.constant 0 : i32
    %dma_start3A_267 = tpu.memref_slice %arg4[%dma_start3A_265, %mul3A_2, %dma_start3A_266] : memref<50x4096x128xf32, #tpu.memory_space<hbm>> -> memref<1x128x128xf32, #tpu.memory_space<hbm>>
    %dma_start3A_268 = arith.constant 46 : i32
    %dma_start3A_269 = arith.constant 0 : i32
    %dma_start3A_270 = tpu.memref_slice %arg4[%dma_start3A_268, %mul3A_2, %dma_start3A_269] : memref<50x4096x128xf32, #tpu.memory_space<hbm>> -> memref<1x128x128xf32, #tpu.memory_space<hbm>>
    %dma_start3A_271 = arith.constant 0 : i32
    %dma_start3A_272 = arith.constant 0 : i32
    %dma_start3A_273 = arith.constant 0 : i32
    %dma_start3A_274 = tpu.memref_slice %arg6[%dma_start3A_259, %dma_start3A_271, %dma_start3A_272, %dma_start3A_273] : memref<7x1x128x128xf32, #tpu.memory_space<vmem>> -> memref<1x1x128x128xf32, #tpu.memory_space<vmem>>
    %dma_start3A_275 = tpu.memref_squeeze %dma_start3A_274 : memref<1x1x128x128xf32, #tpu.memory_space<vmem>> -> memref<1x128x128xf32, #tpu.memory_space<vmem>>
    tpu.enqueue_dma source(%dma_start3A_275 : memref<1x128x128xf32, #tpu.memory_space<vmem>>) target(%dma_start3A_270 : memref<1x128x128xf32, #tpu.memory_space<hbm>>) target_semaphore(%arg18 : memref<!tpu.dma_semaphore, #tpu.memory_space<semaphore_mem>>)
    %dma_wait3A_276 = arith.constant 0 : i32
    %dma_wait3A_277 = arith.constant 5 : i32
    %dma_wait3A_278 = arith.constant 0 : i32
    %dma_wait3A_279 = arith.constant 0 : i32
    %dma_wait3A_280 = arith.constant 0 : i32
    %dma_wait3A_281 = tpu.memref_slice %arg6[%dma_wait3A_277, %dma_wait3A_278, %dma_wait3A_279, %dma_wait3A_280] : memref<7x1x128x128xf32, #tpu.memory_space<vmem>> -> memref<1x1x128x128xf32, #tpu.memory_space<vmem>>
    %dma_wait3A_282 = tpu.memref_squeeze %dma_wait3A_281 : memref<1x1x128x128xf32, #tpu.memory_space<vmem>> -> memref<128x128xf32, #tpu.memory_space<vmem>>
    %dma_wait3A_283 = arith.constant 0 : i32
    %dma_wait3A_284 = tpu.memref_slice %arg5[%dma_wait3A_276, %dma_wait3A_283] : memref<50x128xi32, #tpu.memory_space<vmem>> -> memref<1x128xi32, #tpu.memory_space<vmem>>
    %dma_wait3A_285 = tpu.memref_squeeze %dma_wait3A_284 : memref<1x128xi32, #tpu.memory_space<vmem>> -> memref<128xi32, #tpu.memory_space<vmem>>
    %dma_wait3A_286 = arith.constant 0 : i32
    %dma_wait3A_287 = arith.constant 0 : i32
    %dma_wait3A_288 = tpu.memref_slice %arg2[%dma_wait3A_286, %dma_wait3A_287] : memref<100000x128xf32, #tpu.memory_space<hbm>> -> memref<100000x128xf32, #tpu.memory_space<hbm>>
    tpu.wait_indirect_dma semaphore(%arg12 : memref<!tpu.dma_semaphore, #tpu.memory_space<semaphore_mem>>) src(%dma_wait3A_288 : memref<100000x128xf32, #tpu.memory_space<hbm>>) dst(%dma_wait3A_282 : memref<128x128xf32, #tpu.memory_space<vmem>>)
    %dma_start3A_289 = arith.constant 5 : i32
    %dma_start3A_290 = arith.constant 0 : i32
    %dma_start3A_291 = arith.constant 0 : i32
    %dma_start3A_292 = arith.constant 0 : i32
    %dma_start3A_293 = tpu.memref_slice %arg6[%dma_start3A_289, %dma_start3A_290, %dma_start3A_291, %dma_start3A_292] : memref<7x1x128x128xf32, #tpu.memory_space<vmem>> -> memref<1x1x128x128xf32, #tpu.memory_space<vmem>>
    %dma_start3A_294 = tpu.memref_squeeze %dma_start3A_293 : memref<1x1x128x128xf32, #tpu.memory_space<vmem>> -> memref<1x128x128xf32, #tpu.memory_space<vmem>>
    %dma_start3A_295 = arith.constant 47 : i32
    %dma_start3A_296 = arith.constant 0 : i32
    %dma_start3A_297 = tpu.memref_slice %arg4[%dma_start3A_295, %mul3A_2, %dma_start3A_296] : memref<50x4096x128xf32, #tpu.memory_space<hbm>> -> memref<1x128x128xf32, #tpu.memory_space<hbm>>
    %dma_start3A_298 = arith.constant 47 : i32
    %dma_start3A_299 = arith.constant 0 : i32
    %dma_start3A_300 = tpu.memref_slice %arg4[%dma_start3A_298, %mul3A_2, %dma_start3A_299] : memref<50x4096x128xf32, #tpu.memory_space<hbm>> -> memref<1x128x128xf32, #tpu.memory_space<hbm>>
    %dma_start3A_301 = arith.constant 0 : i32
    %dma_start3A_302 = arith.constant 0 : i32
    %dma_start3A_303 = arith.constant 0 : i32
    %dma_start3A_304 = tpu.memref_slice %arg6[%dma_start3A_289, %dma_start3A_301, %dma_start3A_302, %dma_start3A_303] : memref<7x1x128x128xf32, #tpu.memory_space<vmem>> -> memref<1x1x128x128xf32, #tpu.memory_space<vmem>>
    %dma_start3A_305 = tpu.memref_squeeze %dma_start3A_304 : memref<1x1x128x128xf32, #tpu.memory_space<vmem>> -> memref<1x128x128xf32, #tpu.memory_space<vmem>>
    tpu.enqueue_dma source(%dma_start3A_305 : memref<1x128x128xf32, #tpu.memory_space<vmem>>) target(%dma_start3A_300 : memref<1x128x128xf32, #tpu.memory_space<hbm>>) target_semaphore(%arg19 : memref<!tpu.dma_semaphore, #tpu.memory_space<semaphore_mem>>)
    %dma_wait3A_306 = arith.constant 0 : i32
    %dma_wait3A_307 = arith.constant 6 : i32
    %dma_wait3A_308 = arith.constant 0 : i32
    %dma_wait3A_309 = arith.constant 0 : i32
    %dma_wait3A_310 = arith.constant 0 : i32
    %dma_wait3A_311 = tpu.memref_slice %arg6[%dma_wait3A_307, %dma_wait3A_308, %dma_wait3A_309, %dma_wait3A_310] : memref<7x1x128x128xf32, #tpu.memory_space<vmem>> -> memref<1x1x128x128xf32, #tpu.memory_space<vmem>>
    %dma_wait3A_312 = tpu.memref_squeeze %dma_wait3A_311 : memref<1x1x128x128xf32, #tpu.memory_space<vmem>> -> memref<128x128xf32, #tpu.memory_space<vmem>>
    %dma_wait3A_313 = arith.constant 0 : i32
    %dma_wait3A_314 = tpu.memref_slice %arg5[%dma_wait3A_306, %dma_wait3A_313] : memref<50x128xi32, #tpu.memory_space<vmem>> -> memref<1x128xi32, #tpu.memory_space<vmem>>
    %dma_wait3A_315 = tpu.memref_squeeze %dma_wait3A_314 : memref<1x128xi32, #tpu.memory_space<vmem>> -> memref<128xi32, #tpu.memory_space<vmem>>
    %dma_wait3A_316 = arith.constant 0 : i32
    %dma_wait3A_317 = arith.constant 0 : i32
    %dma_wait3A_318 = tpu.memref_slice %arg2[%dma_wait3A_316, %dma_wait3A_317] : memref<100000x128xf32, #tpu.memory_space<hbm>> -> memref<100000x128xf32, #tpu.memory_space<hbm>>
    tpu.wait_indirect_dma semaphore(%arg13 : memref<!tpu.dma_semaphore, #tpu.memory_space<semaphore_mem>>) src(%dma_wait3A_318 : memref<100000x128xf32, #tpu.memory_space<hbm>>) dst(%dma_wait3A_312 : memref<128x128xf32, #tpu.memory_space<vmem>>)
    %dma_start3A_319 = arith.constant 6 : i32
    %dma_start3A_320 = arith.constant 0 : i32
    %dma_start3A_321 = arith.constant 0 : i32
    %dma_start3A_322 = arith.constant 0 : i32
    %dma_start3A_323 = tpu.memref_slice %arg6[%dma_start3A_319, %dma_start3A_320, %dma_start3A_321, %dma_start3A_322] : memref<7x1x128x128xf32, #tpu.memory_space<vmem>> -> memref<1x1x128x128xf32, #tpu.memory_space<vmem>>
    %dma_start3A_324 = tpu.memref_squeeze %dma_start3A_323 : memref<1x1x128x128xf32, #tpu.memory_space<vmem>> -> memref<1x128x128xf32, #tpu.memory_space<vmem>>
    %dma_start3A_325 = arith.constant 48 : i32
    %dma_start3A_326 = arith.constant 0 : i32
    %dma_start3A_327 = tpu.memref_slice %arg4[%dma_start3A_325, %mul3A_2, %dma_start3A_326] : memref<50x4096x128xf32, #tpu.memory_space<hbm>> -> memref<1x128x128xf32, #tpu.memory_space<hbm>>
    %dma_start3A_328 = arith.constant 48 : i32
    %dma_start3A_329 = arith.constant 0 : i32
    %dma_start3A_330 = tpu.memref_slice %arg4[%dma_start3A_328, %mul3A_2, %dma_start3A_329] : memref<50x4096x128xf32, #tpu.memory_space<hbm>> -> memref<1x128x128xf32, #tpu.memory_space<hbm>>
    %dma_start3A_331 = arith.constant 0 : i32
    %dma_start3A_332 = arith.constant 0 : i32
    %dma_start3A_333 = arith.constant 0 : i32
    %dma_start3A_334 = tpu.memref_slice %arg6[%dma_start3A_319, %dma_start3A_331, %dma_start3A_332, %dma_start3A_333] : memref<7x1x128x128xf32, #tpu.memory_space<vmem>> -> memref<1x1x128x128xf32, #tpu.memory_space<vmem>>
    %dma_start3A_335 = tpu.memref_squeeze %dma_start3A_334 : memref<1x1x128x128xf32, #tpu.memory_space<vmem>> -> memref<1x128x128xf32, #tpu.memory_space<vmem>>
    tpu.enqueue_dma source(%dma_start3A_335 : memref<1x128x128xf32, #tpu.memory_space<vmem>>) target(%dma_start3A_330 : memref<1x128x128xf32, #tpu.memory_space<hbm>>) target_semaphore(%arg20 : memref<!tpu.dma_semaphore, #tpu.memory_space<semaphore_mem>>)
    %dma_wait3A_336 = arith.constant 0 : i32
    %dma_wait3A_337 = arith.constant 0 : i32
    %dma_wait3A_338 = arith.constant 0 : i32
    %dma_wait3A_339 = arith.constant 0 : i32
    %dma_wait3A_340 = arith.constant 0 : i32
    %dma_wait3A_341 = tpu.memref_slice %arg6[%dma_wait3A_337, %dma_wait3A_338, %dma_wait3A_339, %dma_wait3A_340] : memref<7x1x128x128xf32, #tpu.memory_space<vmem>> -> memref<1x1x128x128xf32, #tpu.memory_space<vmem>>
    %dma_wait3A_342 = tpu.memref_squeeze %dma_wait3A_341 : memref<1x1x128x128xf32, #tpu.memory_space<vmem>> -> memref<128x128xf32, #tpu.memory_space<vmem>>
    %dma_wait3A_343 = arith.constant 0 : i32
    %dma_wait3A_344 = tpu.memref_slice %arg5[%dma_wait3A_336, %dma_wait3A_343] : memref<50x128xi32, #tpu.memory_space<vmem>> -> memref<1x128xi32, #tpu.memory_space<vmem>>
    %dma_wait3A_345 = tpu.memref_squeeze %dma_wait3A_344 : memref<1x128xi32, #tpu.memory_space<vmem>> -> memref<128xi32, #tpu.memory_space<vmem>>
    %dma_wait3A_346 = arith.constant 0 : i32
    %dma_wait3A_347 = arith.constant 0 : i32
    %dma_wait3A_348 = tpu.memref_slice %arg2[%dma_wait3A_346, %dma_wait3A_347] : memref<100000x128xf32, #tpu.memory_space<hbm>> -> memref<100000x128xf32, #tpu.memory_space<hbm>>
    tpu.wait_indirect_dma semaphore(%arg7 : memref<!tpu.dma_semaphore, #tpu.memory_space<semaphore_mem>>) src(%dma_wait3A_348 : memref<100000x128xf32, #tpu.memory_space<hbm>>) dst(%dma_wait3A_342 : memref<128x128xf32, #tpu.memory_space<vmem>>)
    %dma_start3A_349 = arith.constant 0 : i32
    %dma_start3A_350 = arith.constant 0 : i32
    %dma_start3A_351 = arith.constant 0 : i32
    %dma_start3A_352 = arith.constant 0 : i32
    %dma_start3A_353 = tpu.memref_slice %arg6[%dma_start3A_349, %dma_start3A_350, %dma_start3A_351, %dma_start3A_352] : memref<7x1x128x128xf32, #tpu.memory_space<vmem>> -> memref<1x1x128x128xf32, #tpu.memory_space<vmem>>
    %dma_start3A_354 = tpu.memref_squeeze %dma_start3A_353 : memref<1x1x128x128xf32, #tpu.memory_space<vmem>> -> memref<1x128x128xf32, #tpu.memory_space<vmem>>
    %dma_start3A_355 = arith.constant 49 : i32
    %dma_start3A_356 = arith.constant 0 : i32
    %dma_start3A_357 = tpu.memref_slice %arg4[%dma_start3A_355, %mul3A_2, %dma_start3A_356] : memref<50x4096x128xf32, #tpu.memory_space<hbm>> -> memref<1x128x128xf32, #tpu.memory_space<hbm>>
    %dma_start3A_358 = arith.constant 49 : i32
    %dma_start3A_359 = arith.constant 0 : i32
    %dma_start3A_360 = tpu.memref_slice %arg4[%dma_start3A_358, %mul3A_2, %dma_start3A_359] : memref<50x4096x128xf32, #tpu.memory_space<hbm>> -> memref<1x128x128xf32, #tpu.memory_space<hbm>>
    %dma_start3A_361 = arith.constant 0 : i32
    %dma_start3A_362 = arith.constant 0 : i32
    %dma_start3A_363 = arith.constant 0 : i32
    %dma_start3A_364 = tpu.memref_slice %arg6[%dma_start3A_349, %dma_start3A_361, %dma_start3A_362, %dma_start3A_363] : memref<7x1x128x128xf32, #tpu.memory_space<vmem>> -> memref<1x1x128x128xf32, #tpu.memory_space<vmem>>
    %dma_start3A_365 = tpu.memref_squeeze %dma_start3A_364 : memref<1x1x128x128xf32, #tpu.memory_space<vmem>> -> memref<1x128x128xf32, #tpu.memory_space<vmem>>
    tpu.enqueue_dma source(%dma_start3A_365 : memref<1x128x128xf32, #tpu.memory_space<vmem>>) target(%dma_start3A_360 : memref<1x128x128xf32, #tpu.memory_space<hbm>>) target_semaphore(%arg14 : memref<!tpu.dma_semaphore, #tpu.memory_space<semaphore_mem>>)
    %dma_wait3A_366 = arith.constant 1 : i32
    %dma_wait3A_367 = arith.constant 0 : i32
    %dma_wait3A_368 = arith.constant 0 : i32
    %dma_wait3A_369 = arith.constant 0 : i32
    %dma_wait3A_370 = tpu.memref_slice %arg6[%dma_wait3A_366, %dma_wait3A_367, %dma_wait3A_368, %dma_wait3A_369] : memref<7x1x128x128xf32, #tpu.memory_space<vmem>> -> memref<1x1x128x128xf32, #tpu.memory_space<vmem>>
    %dma_wait3A_371 = tpu.memref_squeeze %dma_wait3A_370 : memref<1x1x128x128xf32, #tpu.memory_space<vmem>> -> memref<1x128x128xf32, #tpu.memory_space<vmem>>
    %dma_wait3A_372 = arith.constant 0 : i32
    %dma_wait3A_373 = arith.constant 0 : i32
    %dma_wait3A_374 = tpu.memref_slice %arg4[%dma_wait3A_372, %mul3A_2, %dma_wait3A_373] : memref<50x4096x128xf32, #tpu.memory_space<hbm>> -> memref<1x128x128xf32, #tpu.memory_space<hbm>>
    %dma_wait3A_375 = arith.constant 0 : i32
    %dma_wait3A_376 = arith.constant 0 : i32
    %dma_wait3A_377 = tpu.memref_slice %arg4[%dma_wait3A_375, %mul3A_2, %dma_wait3A_376] : memref<50x4096x128xf32, #tpu.memory_space<hbm>> -> memref<1x128x128xf32, #tpu.memory_space<hbm>>
    %dma_wait3A_378 = arith.constant 0 : i32
    %dma_wait3A_379 = arith.constant 0 : i32
    %dma_wait3A_380 = arith.constant 0 : i32
    %dma_wait3A_381 = tpu.memref_slice %arg6[%dma_wait3A_366, %dma_wait3A_378, %dma_wait3A_379, %dma_wait3A_380] : memref<7x1x128x128xf32, #tpu.memory_space<vmem>> -> memref<1x1x128x128xf32, #tpu.memory_space<vmem>>
    %dma_wait3A_382 = tpu.memref_squeeze %dma_wait3A_381 : memref<1x1x128x128xf32, #tpu.memory_space<vmem>> -> memref<1x128x128xf32, #tpu.memory_space<vmem>>
    tpu.wait_dma2 semaphore(%arg15 : memref<!tpu.dma_semaphore, #tpu.memory_space<semaphore_mem>>) src(%dma_wait3A_382 : memref<1x128x128xf32, #tpu.memory_space<vmem>>) dst(%dma_wait3A_377 : memref<1x128x128xf32, #tpu.memory_space<hbm>>)
    %dma_wait3A_383 = arith.constant 2 : i32
    %dma_wait3A_384 = arith.constant 0 : i32
    %dma_wait3A_385 = arith.constant 0 : i32
    %dma_wait3A_386 = arith.constant 0 : i32
    %dma_wait3A_387 = tpu.memref_slice %arg6[%dma_wait3A_383, %dma_wait3A_384, %dma_wait3A_385, %dma_wait3A_386] : memref<7x1x128x128xf32, #tpu.memory_space<vmem>> -> memref<1x1x128x128xf32, #tpu.memory_space<vmem>>
    %dma_wait3A_388 = tpu.memref_squeeze %dma_wait3A_387 : memref<1x1x128x128xf32, #tpu.memory_space<vmem>> -> memref<1x128x128xf32, #tpu.memory_space<vmem>>
    %dma_wait3A_389 = arith.constant 0 : i32
    %dma_wait3A_390 = arith.constant 0 : i32
    %dma_wait3A_391 = tpu.memref_slice %arg4[%dma_wait3A_389, %mul3A_2, %dma_wait3A_390] : memref<50x4096x128xf32, #tpu.memory_space<hbm>> -> memref<1x128x128xf32, #tpu.memory_space<hbm>>
    %dma_wait3A_392 = arith.constant 0 : i32
    %dma_wait3A_393 = arith.constant 0 : i32
    %dma_wait3A_394 = tpu.memref_slice %arg4[%dma_wait3A_392, %mul3A_2, %dma_wait3A_393] : memref<50x4096x128xf32, #tpu.memory_space<hbm>> -> memref<1x128x128xf32, #tpu.memory_space<hbm>>
    %dma_wait3A_395 = arith.constant 0 : i32
    %dma_wait3A_396 = arith.constant 0 : i32
    %dma_wait3A_397 = arith.constant 0 : i32
    %dma_wait3A_398 = tpu.memref_slice %arg6[%dma_wait3A_383, %dma_wait3A_395, %dma_wait3A_396, %dma_wait3A_397] : memref<7x1x128x128xf32, #tpu.memory_space<vmem>> -> memref<1x1x128x128xf32, #tpu.memory_space<vmem>>
    %dma_wait3A_399 = tpu.memref_squeeze %dma_wait3A_398 : memref<1x1x128x128xf32, #tpu.memory_space<vmem>> -> memref<1x128x128xf32, #tpu.memory_space<vmem>>
    tpu.wait_dma2 semaphore(%arg16 : memref<!tpu.dma_semaphore, #tpu.memory_space<semaphore_mem>>) src(%dma_wait3A_399 : memref<1x128x128xf32, #tpu.memory_space<vmem>>) dst(%dma_wait3A_394 : memref<1x128x128xf32, #tpu.memory_space<hbm>>)
    %dma_wait3A_400 = arith.constant 3 : i32
    %dma_wait3A_401 = arith.constant 0 : i32
    %dma_wait3A_402 = arith.constant 0 : i32
    %dma_wait3A_403 = arith.constant 0 : i32
    %dma_wait3A_404 = tpu.memref_slice %arg6[%dma_wait3A_400, %dma_wait3A_401, %dma_wait3A_402, %dma_wait3A_403] : memref<7x1x128x128xf32, #tpu.memory_space<vmem>> -> memref<1x1x128x128xf32, #tpu.memory_space<vmem>>
    %dma_wait3A_405 = tpu.memref_squeeze %dma_wait3A_404 : memref<1x1x128x128xf32, #tpu.memory_space<vmem>> -> memref<1x128x128xf32, #tpu.memory_space<vmem>>
    %dma_wait3A_406 = arith.constant 0 : i32
    %dma_wait3A_407 = arith.constant 0 : i32
    %dma_wait3A_408 = tpu.memref_slice %arg4[%dma_wait3A_406, %mul3A_2, %dma_wait3A_407] : memref<50x4096x128xf32, #tpu.memory_space<hbm>> -> memref<1x128x128xf32, #tpu.memory_space<hbm>>
    %dma_wait3A_409 = arith.constant 0 : i32
    %dma_wait3A_410 = arith.constant 0 : i32
    %dma_wait3A_411 = tpu.memref_slice %arg4[%dma_wait3A_409, %mul3A_2, %dma_wait3A_410] : memref<50x4096x128xf32, #tpu.memory_space<hbm>> -> memref<1x128x128xf32, #tpu.memory_space<hbm>>
    %dma_wait3A_412 = arith.constant 0 : i32
    %dma_wait3A_413 = arith.constant 0 : i32
    %dma_wait3A_414 = arith.constant 0 : i32
    %dma_wait3A_415 = tpu.memref_slice %arg6[%dma_wait3A_400, %dma_wait3A_412, %dma_wait3A_413, %dma_wait3A_414] : memref<7x1x128x128xf32, #tpu.memory_space<vmem>> -> memref<1x1x128x128xf32, #tpu.memory_space<vmem>>
    %dma_wait3A_416 = tpu.memref_squeeze %dma_wait3A_415 : memref<1x1x128x128xf32, #tpu.memory_space<vmem>> -> memref<1x128x128xf32, #tpu.memory_space<vmem>>
    tpu.wait_dma2 semaphore(%arg17 : memref<!tpu.dma_semaphore, #tpu.memory_space<semaphore_mem>>) src(%dma_wait3A_416 : memref<1x128x128xf32, #tpu.memory_space<vmem>>) dst(%dma_wait3A_411 : memref<1x128x128xf32, #tpu.memory_space<hbm>>)
    %dma_wait3A_417 = arith.constant 4 : i32
    %dma_wait3A_418 = arith.constant 0 : i32
    %dma_wait3A_419 = arith.constant 0 : i32
    %dma_wait3A_420 = arith.constant 0 : i32
    %dma_wait3A_421 = tpu.memref_slice %arg6[%dma_wait3A_417, %dma_wait3A_418, %dma_wait3A_419, %dma_wait3A_420] : memref<7x1x128x128xf32, #tpu.memory_space<vmem>> -> memref<1x1x128x128xf32, #tpu.memory_space<vmem>>
    %dma_wait3A_422 = tpu.memref_squeeze %dma_wait3A_421 : memref<1x1x128x128xf32, #tpu.memory_space<vmem>> -> memref<1x128x128xf32, #tpu.memory_space<vmem>>
    %dma_wait3A_423 = arith.constant 0 : i32
    %dma_wait3A_424 = arith.constant 0 : i32
    %dma_wait3A_425 = tpu.memref_slice %arg4[%dma_wait3A_423, %mul3A_2, %dma_wait3A_424] : memref<50x4096x128xf32, #tpu.memory_space<hbm>> -> memref<1x128x128xf32, #tpu.memory_space<hbm>>
    %dma_wait3A_426 = arith.constant 0 : i32
    %dma_wait3A_427 = arith.constant 0 : i32
    %dma_wait3A_428 = tpu.memref_slice %arg4[%dma_wait3A_426, %mul3A_2, %dma_wait3A_427] : memref<50x4096x128xf32, #tpu.memory_space<hbm>> -> memref<1x128x128xf32, #tpu.memory_space<hbm>>
    %dma_wait3A_429 = arith.constant 0 : i32
    %dma_wait3A_430 = arith.constant 0 : i32
    %dma_wait3A_431 = arith.constant 0 : i32
    %dma_wait3A_432 = tpu.memref_slice %arg6[%dma_wait3A_417, %dma_wait3A_429, %dma_wait3A_430, %dma_wait3A_431] : memref<7x1x128x128xf32, #tpu.memory_space<vmem>> -> memref<1x1x128x128xf32, #tpu.memory_space<vmem>>
    %dma_wait3A_433 = tpu.memref_squeeze %dma_wait3A_432 : memref<1x1x128x128xf32, #tpu.memory_space<vmem>> -> memref<1x128x128xf32, #tpu.memory_space<vmem>>
    tpu.wait_dma2 semaphore(%arg18 : memref<!tpu.dma_semaphore, #tpu.memory_space<semaphore_mem>>) src(%dma_wait3A_433 : memref<1x128x128xf32, #tpu.memory_space<vmem>>) dst(%dma_wait3A_428 : memref<1x128x128xf32, #tpu.memory_space<hbm>>)
    %dma_wait3A_434 = arith.constant 5 : i32
    %dma_wait3A_435 = arith.constant 0 : i32
    %dma_wait3A_436 = arith.constant 0 : i32
    %dma_wait3A_437 = arith.constant 0 : i32
    %dma_wait3A_438 = tpu.memref_slice %arg6[%dma_wait3A_434, %dma_wait3A_435, %dma_wait3A_436, %dma_wait3A_437] : memref<7x1x128x128xf32, #tpu.memory_space<vmem>> -> memref<1x1x128x128xf32, #tpu.memory_space<vmem>>
    %dma_wait3A_439 = tpu.memref_squeeze %dma_wait3A_438 : memref<1x1x128x128xf32, #tpu.memory_space<vmem>> -> memref<1x128x128xf32, #tpu.memory_space<vmem>>
    %dma_wait3A_440 = arith.constant 0 : i32
    %dma_wait3A_441 = arith.constant 0 : i32
    %dma_wait3A_442 = tpu.memref_slice %arg4[%dma_wait3A_440, %mul3A_2, %dma_wait3A_441] : memref<50x4096x128xf32, #tpu.memory_space<hbm>> -> memref<1x128x128xf32, #tpu.memory_space<hbm>>
    %dma_wait3A_443 = arith.constant 0 : i32
    %dma_wait3A_444 = arith.constant 0 : i32
    %dma_wait3A_445 = tpu.memref_slice %arg4[%dma_wait3A_443, %mul3A_2, %dma_wait3A_444] : memref<50x4096x128xf32, #tpu.memory_space<hbm>> -> memref<1x128x128xf32, #tpu.memory_space<hbm>>
    %dma_wait3A_446 = arith.constant 0 : i32
    %dma_wait3A_447 = arith.constant 0 : i32
    %dma_wait3A_448 = arith.constant 0 : i32
    %dma_wait3A_449 = tpu.memref_slice %arg6[%dma_wait3A_434, %dma_wait3A_446, %dma_wait3A_447, %dma_wait3A_448] : memref<7x1x128x128xf32, #tpu.memory_space<vmem>> -> memref<1x1x128x128xf32, #tpu.memory_space<vmem>>
    %dma_wait3A_450 = tpu.memref_squeeze %dma_wait3A_449 : memref<1x1x128x128xf32, #tpu.memory_space<vmem>> -> memref<1x128x128xf32, #tpu.memory_space<vmem>>
    tpu.wait_dma2 semaphore(%arg19 : memref<!tpu.dma_semaphore, #tpu.memory_space<semaphore_mem>>) src(%dma_wait3A_450 : memref<1x128x128xf32, #tpu.memory_space<vmem>>) dst(%dma_wait3A_445 : memref<1x128x128xf32, #tpu.memory_space<hbm>>)
    %dma_wait3A_451 = arith.constant 6 : i32
    %dma_wait3A_452 = arith.constant 0 : i32
    %dma_wait3A_453 = arith.constant 0 : i32
    %dma_wait3A_454 = arith.constant 0 : i32
    %dma_wait3A_455 = tpu.memref_slice %arg6[%dma_wait3A_451, %dma_wait3A_452, %dma_wait3A_453, %dma_wait3A_454] : memref<7x1x128x128xf32, #tpu.memory_space<vmem>> -> memref<1x1x128x128xf32, #tpu.memory_space<vmem>>
    %dma_wait3A_456 = tpu.memref_squeeze %dma_wait3A_455 : memref<1x1x128x128xf32, #tpu.memory_space<vmem>> -> memref<1x128x128xf32, #tpu.memory_space<vmem>>
    %dma_wait3A_457 = arith.constant 0 : i32
    %dma_wait3A_458 = arith.constant 0 : i32
    %dma_wait3A_459 = tpu.memref_slice %arg4[%dma_wait3A_457, %mul3A_2, %dma_wait3A_458] : memref<50x4096x128xf32, #tpu.memory_space<hbm>> -> memref<1x128x128xf32, #tpu.memory_space<hbm>>
    %dma_wait3A_460 = arith.constant 0 : i32
    %dma_wait3A_461 = arith.constant 0 : i32
    %dma_wait3A_462 = tpu.memref_slice %arg4[%dma_wait3A_460, %mul3A_2, %dma_wait3A_461] : memref<50x4096x128xf32, #tpu.memory_space<hbm>> -> memref<1x128x128xf32, #tpu.memory_space<hbm>>
    %dma_wait3A_463 = arith.constant 0 : i32
    %dma_wait3A_464 = arith.constant 0 : i32
    %dma_wait3A_465 = arith.constant 0 : i32
    %dma_wait3A_466 = tpu.memref_slice %arg6[%dma_wait3A_451, %dma_wait3A_463, %dma_wait3A_464, %dma_wait3A_465] : memref<7x1x128x128xf32, #tpu.memory_space<vmem>> -> memref<1x1x128x128xf32, #tpu.memory_space<vmem>>
    %dma_wait3A_467 = tpu.memref_squeeze %dma_wait3A_466 : memref<1x1x128x128xf32, #tpu.memory_space<vmem>> -> memref<1x128x128xf32, #tpu.memory_space<vmem>>
    tpu.wait_dma2 semaphore(%arg20 : memref<!tpu.dma_semaphore, #tpu.memory_space<semaphore_mem>>) src(%dma_wait3A_467 : memref<1x128x128xf32, #tpu.memory_space<vmem>>) dst(%dma_wait3A_462 : memref<1x128x128xf32, #tpu.memory_space<hbm>>)
    %dma_wait3A_468 = arith.constant 0 : i32
    %dma_wait3A_469 = arith.constant 0 : i32
    %dma_wait3A_470 = arith.constant 0 : i32
    %dma_wait3A_471 = arith.constant 0 : i32
    %dma_wait3A_472 = tpu.memref_slice %arg6[%dma_wait3A_468, %dma_wait3A_469, %dma_wait3A_470, %dma_wait3A_471] : memref<7x1x128x128xf32, #tpu.memory_space<vmem>> -> memref<1x1x128x128xf32, #tpu.memory_space<vmem>>
    %dma_wait3A_473 = tpu.memref_squeeze %dma_wait3A_472 : memref<1x1x128x128xf32, #tpu.memory_space<vmem>> -> memref<1x128x128xf32, #tpu.memory_space<vmem>>
    %dma_wait3A_474 = arith.constant 0 : i32
    %dma_wait3A_475 = arith.constant 0 : i32
    %dma_wait3A_476 = tpu.memref_slice %arg4[%dma_wait3A_474, %mul3A_2, %dma_wait3A_475] : memref<50x4096x128xf32, #tpu.memory_space<hbm>> -> memref<1x128x128xf32, #tpu.memory_space<hbm>>
    %dma_wait3A_477 = arith.constant 0 : i32
    %dma_wait3A_478 = arith.constant 0 : i32
    %dma_wait3A_479 = tpu.memref_slice %arg4[%dma_wait3A_477, %mul3A_2, %dma_wait3A_478] : memref<50x4096x128xf32, #tpu.memory_space<hbm>> -> memref<1x128x128xf32, #tpu.memory_space<hbm>>
    %dma_wait3A_480 = arith.constant 0 : i32
    %dma_wait3A_481 = arith.constant 0 : i32
    %dma_wait3A_482 = arith.constant 0 : i32
    %dma_wait3A_483 = tpu.memref_slice %arg6[%dma_wait3A_468, %dma_wait3A_480, %dma_wait3A_481, %dma_wait3A_482] : memref<7x1x128x128xf32, #tpu.memory_space<vmem>> -> memref<1x1x128x128xf32, #tpu.memory_space<vmem>>
    %dma_wait3A_484 = tpu.memref_squeeze %dma_wait3A_483 : memref<1x1x128x128xf32, #tpu.memory_space<vmem>> -> memref<1x128x128xf32, #tpu.memory_space<vmem>>
    tpu.wait_dma2 semaphore(%arg14 : memref<!tpu.dma_semaphore, #tpu.memory_space<semaphore_mem>>) src(%dma_wait3A_484 : memref<1x128x128xf32, #tpu.memory_space<vmem>>) dst(%dma_wait3A_479 : memref<1x128x128xf32, #tpu.memory_space<hbm>>)
    return
  }
}

</mosaic_0001>

<sc_bundles>
// kernel: kernel.3.cloned.1.call-start
scs
__scs_entry_jumppad:
0x0: {  	(pc) =	sbr.rel $0x88, $3  }
0x1: {  	(tag) =	ssettag $0x0;
	lr =	simm.s32 $0x1  }
0x2: {  	[smem:$0x3F9F] =	sst lr;
	_ =	strace $0xD0000000  }
0x3: {  	_ = 	snop  }
0x4: {  	_ = 	snop  }
0x5: {  	_ = 	snop  }
0x6: {  	_ = 	snop  }
0x7: {  	_ = 	snop  }
__scs_overlays_trampoline_lowered:
0x8: {  	[smem:$0x3FAE] =	sst s0  }
0x9: {  	[smem:$0x3FAF] =	sst s1  }
0xa: {  	[smem:$0x3FB0] =	sst s2  }
0xb: {  	[smem:$0x3FB1] =	sst s3  }
0xc: {  	[smem:$0x3FB2] =	sst s4  }
0xd: {  	[smem:$0x3FB3] =	sst s5  }
0xe: {  	[smem:$0x3FB4] =	sst s6  }
0xf: {  	[smem:$0x3FB5] =	sst s7  }
0x10: {  	[smem:$0x3FB6] =	sst s8  }
0x11: {  	[smem:$0x3FB7] =	sst s9;
	s0 =	simm.s32 @!p0 $0x0  }
0x12: {  	s1 =	sld [smem:$0x3F9D];
	s0 =	simm.s32 @p0 $0x1  }
0x13: {  	[smem:$0x3FB8] =	sst s0;
	s0 =	simm.s32 @!p1 $0x0  }
0x14: {  	s2 =	sld [smem:$0x3F9C];
	s0 =	simm.s32 @p1 $0x1  }
0x15: {  	[smem:$0x3FB9] =	sst s0;
	s0 =	simm.s32 @!p2 $0x0  }
0x16: {  	s3 =	sld [smem:$0x3FDB];
	s0 =	simm.s32 @p2 $0x1  }
0x17: {  	s4 =	simm.s32 $0x1BF5;
	[smem:$0x3FBB] =	sst s0  }
0x18: {  	s0 =	sld [smem:$0x3F9E];
	_ =	swait.ge [sflag:s4], $0x0  }
0x19: {  	s7 =	sld [smem:$0x3F9F]  }
0x1a: {  	s8 =	sadd.s32 $0xFFFFE003, lr  }
0x1b: {  	s9 =	sadd.s32 $0xFFFFFEF7, lr;
	s5 =	simm.s32 $0xFFFFFFFF;
	p2 =	slt.u32 s8, $0xFFFFF086  }
0x1c: {  	p1 =	slt.u32 s9, $0xF7A;
	s5 =	simm.s32 @!p2 $0x0  }
0x1d: {  	s5 =	simm.s32 @p1 $0x1;
	p0 =	seq.s32 s7, s2  }
0x1e: {  	s7 =	smul.u32 @!p0 $0xF7A, s2;
	p2 =	seq.s32 @!p0 s5, $0x0  }
0x1f: {  	s9 =	smul.u32 $0xF7A, s1;
	s8 =	simm.s32 @!p0 $0x1BF5;
	p2 =	por !p2, p0  }
0x20: {  	[sflag:s8] =	ssyncset.s32 @!p0 $0xFFFFF086;
	s6 =	sadd.s32 @!p0 s3, s7;
	s7 =	simm.s32 @!p0 $0x108  }
0x21: {  	s3 =	sadd.s32 s3, s9;
	s6 =	sadd.s32 @!p0 $0x88, s6;
	s7 =	simm.s32 @p2 $0x1082  }
0x22: {  	[simem:s7], [sflag:s8] =	dma.local @!p0 [hbm:s6], $0xF7A  }
0x23: {  	s9 =	sor.u32 $0xD0000000, s2;
	s6 =	simm.s32 $0x108;
	_ =	swait.ge @!p0 [sflag:s8], $0x0  }
0x24: {  	s3 =	sadd.s32 $0x88, s3;
	s6 =	simm.s32 @!p1 $0x1082;
	[sflag:s4] =	ssyncset.s32 $0xFFFFF086  }
0x25: {  	[simem:s6], [sflag:s4] =	dma.local [hbm:s3], $0xF7A  }
0x26: {  	[smem:$0x3F9F] =	sst s1;
	(tag) =	ssettag s2;
	_ =	strace s9  }
0x27: {  	s1 =	sld [smem:$0x3FAF]  }
0x28: {  	s2 =	sld [smem:$0x3FB0]  }
0x29: {  	s4 =	sld [smem:$0x3FB2]  }
0x2a: {  	p0 =	seq.s32 s5, $0x0;
	s5 =	sld [smem:$0x3FB3]  }
0x2b: {  	s6 =	sld [smem:$0x3FB4]  }
0x2c: {  	s7 =	sld [smem:$0x3FB5]  }
0x2d: {  	s3 =	simm.s32 $0x108;
	s8 =	sld [smem:$0x3FB6]  }
0x2e: {  	s3 =	simm.s32 @!p0 $0x1082;
	s9 =	sld [smem:$0x3FB7]  }
0x2f: {  	lr =	sadd.s32 s0, s3;
	s0 =	sld [smem:$0x3FAE]  }
0x30: {  	s3 =	sld [smem:$0x3FB1]  }
0x31: {  	[smem:$0x3FBA] =	sst s10  }
0x32: {  	s10 =	sld [smem:$0x3FB8];
	_ =	sdelay $0x3  }
0x33: {  	p0 =	seq.s32 s10, $0x1;
	s10 =	sld [smem:$0x3FBA];
	_ =	sdelay $0x3  }
0x34: {  	[smem:$0x3FBA] =	sst s10  }
0x35: {  	s10 =	sld [smem:$0x3FB9];
	_ =	sdelay $0x3  }
0x36: {  	p1 =	seq.s32 s10, $0x1;
	s10 =	sld [smem:$0x3FBA];
	_ =	sdelay $0x3  }
0x37: {  	[smem:$0x3FBA] =	sst s10  }
0x38: {  	s10 =	sld [smem:$0x3FBB]  }
0x39: {  	_ = 	snop;
	(pc) =	sbr.ind lr, $3  }
0x3a: {  	_ = 	snop  }
0x3b: {  	_ = 	snop  }
0x3c: {  	p2 =	seq.s32 s10, $0x1;
	s10 =	sld [smem:$0x3FBA]  }
0x3d: {  	_ =	shalt  }
0x3e: {  	_ =	shalt  }
0x3f: {  	_ =	shalt  }
0x40: {  	_ =	shalt  }
0x41: {  	_ =	shalt  }
0x42: {  	_ =	shalt  }
0x43: {  	_ =	shalt  }
0x44: {  	_ =	shalt  }
0x45: {  	_ =	shalt  }
0x46: {  	_ =	shalt  }
0x47: {  	_ =	shalt  }
0x48: {  	_ =	shalt  }
0x49: {  	_ =	shalt  }
0x4a: {  	_ =	shalt  }
0x4b: {  	_ =	shalt  }
0x4c: {  	_ =	shalt  }
0x4d: {  	_ =	shalt  }
0x4e: {  	_ =	shalt  }
0x4f: {  	_ =	shalt  }
0x50: {  	_ =	shalt  }
0x51: {  	_ =	shalt  }
0x52: {  	_ =	shalt  }
0x53: {  	_ =	shalt  }
0x54: {  	_ =	shalt  }
0x55: {  	_ =	shalt  }
0x56: {  	_ =	shalt  }
0x57: {  	_ =	shalt  }
0x58: {  	_ =	shalt  }
0x59: {  	_ =	shalt  }
0x5a: {  	_ =	shalt  }
0x5b: {  	_ =	shalt  }
0x5c: {  	_ =	shalt  }
0x5d: {  	_ =	shalt  }
0x5e: {  	_ =	shalt  }
0x5f: {  	_ =	shalt  }
0x60: {  	_ =	shalt  }
0x61: {  	_ =	shalt  }
0x62: {  	_ =	shalt  }
0x63: {  	_ =	shalt  }
0x64: {  	_ =	shalt  }
0x65: {  	_ =	shalt  }
0x66: {  	_ =	shalt  }
0x67: {  	_ =	shalt  }
0x68: {  	_ =	shalt  }
0x69: {  	_ =	shalt  }
0x6a: {  	_ =	shalt  }
0x6b: {  	_ =	shalt  }
0x6c: {  	_ =	shalt  }
0x6d: {  	_ =	shalt  }
0x6e: {  	_ =	shalt  }
0x6f: {  	_ =	shalt  }
0x70: {  	_ =	shalt  }
0x71: {  	_ =	shalt  }
0x72: {  	_ =	shalt  }
0x73: {  	_ =	shalt  }
0x74: {  	_ =	shalt  }
0x75: {  	_ =	shalt  }
0x76: {  	_ =	shalt  }
0x77: {  	_ =	shalt  }
0x78: {  	_ =	shalt  }
0x79: {  	_ =	shalt  }
0x7a: {  	_ =	shalt  }
0x7b: {  	_ =	shalt  }
0x7c: {  	_ =	shalt  }
0x7d: {  	_ =	shalt  }
0x7e: {  	_ =	shalt  }
0x7f: {  	_ =	shalt  }
0x80: {  	_ =	shalt  }
0x81: {  	_ =	shalt  }
0x82: {  	_ =	shalt  }
0x83: {  	_ =	shalt  }
0x84: {  	_ =	shalt  }
0x85: {  	_ =	shalt  }
0x86: {  	_ =	shalt  }
0x87: {  	_ =	shalt  }
.Lfunc_end0:
.L_simem_size_0:
called_computation_lowered:
.L_overlay_start_0:
0x88: {  	s2 =	sld [smem:$0x3FD9]  }
0x89: {  	s3 =	sld [smem:$0x3FFE];
	_ =	sdelay $0x1  }
0x8a: {  	s1 =	srdreg.scid  }
0x8b: {  	s0 =	sand.u32 $0x1, s1  }
0x8c: {  	s18 =	sshll.u32 s0, $0xA;
	s2 =	sadd.s32 s3, s2  }
0x8d: {  	s2 =	sadd.s32 s2, s18  }
0x8e: {  	[smem:$0x3FC6] =	sst s2  }
0x8f: {  	_ = 	snop  }
0x90: {  	s2 =	sld [smem:$0x3FC9]  }
0x91: {  	s19 =	sld [smem:$0x3FC8]  }
0x92: {  	s4 =	sld [smem:$0x3FD0];
	(tm) =	ssettm $0x1  }
0x93: {  	s5 =	sld [smem:$0x3FFB];
	_ =	sdelay $0x3  }
0x94: {  	_ =	strace s5  }
0x95: {  	s5 =	sld [smem:$0x3FFC];
	_ =	sdelay $0x3  }
0x96: {  	_ =	strace s5  }
0x97: {  	s5 =	sld [smem:$0x3FFD];
	_ =	sdelay $0x3  }
0x98: {  	_ =	strace s5  }
0x99: {  	_ =	strace $0x8FFFFFFF  }
0x9a: {  	s20 =	sld [smem:$0x3FDB];
	_ =	sdelay $0x1  }
0x9b: {  	s6 =	simm.s32 $_scs_section_size  }
0x9c: {  	s7 =	simm.s32 $_size__tile_overlayer_lowered;
	s8 =	simm.s32 $_tile_overlayer_lowered  }
0x9d: {  	s23 =	simm.s32 $0x1BFF;
	s22 =	sshll.u32 s8, $0x1;
	s5 =	sadd.s32 s6, s20  }
0x9e: {  	s9 =	simm.s32 $0x0;
	s21 =	sshll.u32 s7, $0x1;
	s7 =	sadd.s32 s22, s5  }
0x9f: {  	[timem:s9], [sflag:s23] =	dma.local [hbm:s7], s21  }
0xa0: {  	_ =	swait.ge [sflag:s23], s21  }
0xa1: {  	s6 =	ssub.s32 $0x0, s21;
	[sflag:s23] =	ssyncset.done $0x0  }
0xa2: {  	[sflag:s23] =	ssyncadd.s32 s6;
	_ =	sdelay $0x1  }
0xa3: {  	s24 =	simm.s32 $0x1B8B  }
0xa4: {  	_ =	swait.ge [sflag:s24], $0x1  }
0xa5: {  	[sflag:s24] =	ssyncset.done $0x0  }
0xa6: {  	s25 =	simm.s32 $0x1B8E;
	[sflag:s24] =	ssyncadd.s32 $0xFFFFFFFF  }
0xa7: {  	s26 =	simm.s32 $execute0_lowered;
	[smem:$0x3FD2] =	sst s25  }
0xa8: {  	s6 =	sshll.u32 s26, $0x1;
	_ =	strace $0x80000046;
	[dreg:$0x1] =	wrdreg $0xFFFFFFFF  }
0xa9: {  	s28 =	simm.s32 $_size_execute0_lowered;
	s5 =	sadd.s32 s5, s6;
	[dreg:$0x0] =	wrdreg $0x0  }
0xaa: {  	s6 =	sshll.u32 s28, $0x1;
	[dreg:$0x2] =	wrdreg s5  }
0xab: {  	[dreg:$0x3] =	wrdreg s6  }
0xac: {  	[dreg:$0x4] =	wrdreg $0xC0  }
0xad: {  	_ =	task [dreg:s9], $0x5FFFF  }
0xae: {  	[dreg:$0x1] =	wrdreg $0xFFFFFFFF  }
0xaf: {  	[dreg:$0x0] =	wrdreg $0x60  }
0xb0: {  	[dreg:$0x2] =	wrdreg s19  }
0xb1: {  	[dreg:$0x3] =	wrdreg s2  }
0xb2: {  	[dreg:$0x4] =	wrdreg s4  }
0xb3: {  	[dreg:$0x5] =	wrdreg $0x9  }
0xb4: {  	_ =	task.clear_ibuf [dreg:s9], $0x6FFFF;
	_ =	strace $0x90000046  }
0xb5: {  	s29 =	simm.s32 $0x9;
	_ =	strace $0x80000048  }
0xb6: {  	_ =	swait.ge [sflag:s29], $0x1  }
0xb7: {  	[sflag:s29] =	ssyncadd.s32 $0xFFFFFFFF  }
0xb8: {  	_ =	strace $0x90000048  }
0xb9: {  	_ =	sfence  }
0xba: {  	s30 =	sld [smem:$0x0];
	_ =	sdelay $0x2  }
0xbb: {  	s31 =	sshll.u32 s1, $0xD;
	s1 =	sshrl.u32 s1, $0x2  }
0xbc: {  	s3 =	sand.u32 $0x4000, s31;
	s1 =	sadd.s32 s1, s30  }
0xbd: {  	s0 =	sor.u32 s3, s0;
	s1 =	sshll.u32 s1, $0x11  }
0xbe: {  	s0 =	sor.u32 s1, s0  }
0xbf: {  	s0 =	sadd.s32 $0x8F2B, s0  }
0xc0: {  	[sflag:s0] =	ssyncadd.remote.s32 $0x1  }
0xc1: {  	_ =	sfence.sel $0xFFFF  }
0xc2: {  	[dreg:$0x0] =	wrdreg $0xFFFFFFFF;
	(pc) =	sbr.abs _section_cstart, $3  }
0xc3: {  	[dreg:$0x1] =	wrdreg $0xFFFFFFFF  }
0xc4: {  	_ =	task.clear_ibuf [dreg:s9], $0x2FFFF;
	_ =	strace $0x9FFFFFFF  }
0xc5: {  	(tm) =	ssettm $0x7FFFFFFF  }
tec
execute0_lowered:
.L_overlay_start_1:
0x0: {  	(tag) =	ssettag $0x1  }
0x1: {  	s1 =	rddreg [dreg:$0x0]  }
0x2: {  	s0 =	rddreg [dreg:$0x1];
	s2 =	srdreg.scid  }
0x3: {  	s23 =	rddreg [dreg:$0x2];
	s7 =	stileid.u32;
	s2 =	sand.u32 $0x1, s2  }
0x4: {  	s4 =	simm.s32 $0x0;
	s5 =	sshll.u32 s7, $0x7;
	s3 =	sshll.u32 s2, $0xB  }
0x5: {  	[smem:$0x7FF] =	sst s4;
	s6 =	ssub.s32 $0x2, s2;
	s3 =	sor.u32 s5, s3  }
0x6: {  	_ =	strace $0x80000047;
	s25 =	sshrl.u32 s6, $0x1;
	s8 =	sadd.s32 s0, s3  }
0x7: {  	s26 =	sshll.u32 s3, $0x4;
	[dreg:$0x4] =	wrdreg s8;
	s30 =	sadd.s32 $0x6000, s8  }
0x8: {  	s29 =	ssub.s32 s6, s25;
	s31 =	sadd.s32 s23, s26;
	[dreg:$0x5] =	wrdreg s30  }
0x9: {  	s16 =	smax.u32 s29, $0x1;
	[dreg:$0x6] =	wrdreg s31  }
0xa: {  	s0 =	sadd.s32 $0x2B0000, s31;
	[dreg:$0xe] =	wrdreg s16  }
0xb: {  	s28 =	simm.s32 $0x80;
	s8 =	sadd.s32 $0x2C0000, s31;
	[dreg:$0x7] =	wrdreg s0  }
0xc: {  	s12 =	sshll.u32 s7, $0xE;
	s9 =	sadd.s32 $0x2D0000, s31;
	[dreg:$0x8] =	wrdreg s8  }
0xd: {  	s7 =	simm.s32 $0xD;
	s10 =	sadd.s32 $0x2E0000, s31;
	[dreg:$0x9] =	wrdreg s9  }
0xe: {  	s11 =	sshll.u32 s2, $0x12;
	s13 =	sadd.s32 $0x2F0000, s31;
	[dreg:$0xa] =	wrdreg s10  }
0xf: {  	s5 =	simm.s32 $0xB;
	s14 =	sadd.s32 $0x300000, s31;
	[dreg:$0xb] =	wrdreg s13  }
0x10: {  	s15 =	sadd.s32 $0x310000, s31;
	s16 =	simm.s32 $0xE;
	[dreg:$0xc] =	wrdreg s14  }
0x11: {  	s0 =	sor.u32 s12, s11;
	[dreg:$0xd] =	wrdreg s15;
	s10 =	simm.s32 $0x3  }
0x12: {  	s11 =	simm.s32 $0xA;
	s12 =	simm.s32 $0x4;
	s13 =	simm.s32 $0x5  }
0x13: {  	s14 =	simm.s32 $0xC;
	s17 =	sor.u32 $0x300000, s0;
	s18 =	sor.u32 $0x280000, s0  }
0x14: {  	s19 =	sor.u32 $0x200000, s0;
	s24 =	sor.u32 $0x180000, s0;
	s25 =	sor.u32 $0x100000, s0  }
0x15: {  	s26 =	sor.u32 $0x80000, s0;
	s0 =	sor.u32 $0x380000, s0;
	s2 =	sshrl.u32 s17, $0x3  }
0x16: {  	s21 =	sshrl.u32 s19, $0x3;
	[dreg:$0x15] =	wrdreg s0;
	s2 =	sadd.s32 s2, s23  }
0x17: {  	s20 =	sshrl.u32 s18, $0x3;
	s22 =	sadd.s32 s21, s23;
	[dreg:$0xf] =	wrdreg s2  }
0x18: {  	s30 =	sshrl.u32 s26, $0x3;
	s2 =	sadd.s32 s20, s23;
	[dreg:$0x11] =	wrdreg s22  }
0x19: {  	s31 =	sadd.s32 s30, s23;
	[dreg:$0x10] =	wrdreg s2;
	s2 =	sshrl.u32 s24, $0x3  }
0x1a: {  	s29 =	sshrl.u32 s25, $0x3;
	[dreg:$0x14] =	wrdreg s31;
	s2 =	sadd.s32 s2, s23  }
0x1b: {  	s15 =	simm.s32 $0x6;
	[dreg:$0x12] =	wrdreg s2;
	s2 =	sadd.s32 s29, s23  }
0x1c: {  	s26 =	simm.s32 $0x7;
	[dreg:$0x13] =	wrdreg s2;
	s2 =	simm.s32 $0x0  }
.LBB2_1:
0x1d: {  	[dreg:$0x16] =	wrdreg s2  }
0x1e: {  	s0 =	rddreg [dreg:$0x4];
	s3 =	simm.s32 $0x400;
	s17 =	simm.s32 $0x8000  }
0x1f: {  	[tilespmem:s4], [sflag:$0xF] =	stream.strided.gather [hbm4b:s0+s3], $0x1800, s17, s3, $0x38;
	[tilespmem:$0x1DC00] =	vst v63  }
0x20: {  	s18 =	rddreg [dreg:$0x5];
	s19 =	simm.s32 $0x1800;
	s20 =	simm.s32 $0xF  }
0x21: {  	[tilespmem:s19], [sflag:$0xF] =	stream.linear.gather [hbm4b:s18+s4], $0x100, $0x38;
	[tilespmem:$0x1DC00] =	vst v63  }
0x22: {  	_ =	swait.ge [sflag:s20], $0x1900  }
0x23: {  	[sflag:s20] =	ssyncset.done $0x0  }
0x24: {  	s3 =	simm.s32 $0x1C00;
	[sflag:s20] =	ssyncadd.s32 $0xFFFFE700  }
0x25: {  	[tilespmem:s3], [sflag:$0x1] =	stream.indirect.gather [hbm4b:s1+s28], $0x80, s4, s28, $0xb8;
	[tilespmem:$0x1DC00] =	vst v63  }
0x26: {  	s2 =	simm.s32 $0x5C00  }
0x27: {  	[tilespmem:s2], [sflag:$0x2] =	stream.indirect.gather [hbm4b:s1+s28], $0x80, s28, s28, $0xb8;
	[tilespmem:$0x1DC00] =	vst v63  }
0x28: {  	s21 =	simm.s32 $0x100;
	s17 =	simm.s32 $0x9C00  }
0x29: {  	[tilespmem:s17], [sflag:$0x3] =	stream.indirect.gather [hbm4b:s1+s28], $0x80, s21, s28, $0xb8;
	[tilespmem:$0x1DC00] =	vst v63  }
0x2a: {  	s22 =	simm.s32 $0x180;
	s18 =	simm.s32 $0xDC00  }
0x2b: {  	[tilespmem:s18], [sflag:$0x4] =	stream.indirect.gather [hbm4b:s1+s28], $0x80, s22, s28, $0xb8;
	[tilespmem:$0x1DC00] =	vst v63  }
0x2c: {  	s24 =	simm.s32 $0x200;
	s6 =	simm.s32 $0x11C00  }
0x2d: {  	[tilespmem:s6], [sflag:$0x5] =	stream.indirect.gather [hbm4b:s1+s28], $0x80, s24, s28, $0xb8;
	[tilespmem:$0x1DC00] =	vst v63  }
0x2e: {  	s25 =	simm.s32 $0x280;
	s8 =	simm.s32 $0x15C00;
	s9 =	simm.s32 $0x1  }
0x2f: {  	[tilespmem:s8], [sflag:$0x6] =	stream.indirect.gather [hbm4b:s1+s28], $0x80, s25, s28, $0xb8;
	[tilespmem:$0x1DC00] =	vst v63  }
0x30: {  	_ =	swait.ge [sflag:s9], $0x4000  }
0x31: {  	[sflag:s9] =	ssyncset.done $0x0  }
0x32: {  	s30 =	rddreg [dreg:$0x6];
	[sflag:s9] =	ssyncadd.s32 $0xFFFFC000  }
0x33: {  	[hbm4b:s30+s4] =	stream.linear.scatter [tilespmem:s3], [sflag:$0x8], $0x4000, $0x38;
	[tilespmem:$0x1DC00] =	vst v63  }
0x34: {  	s31 =	simm.s32 $0x300;
	s19 =	simm.s32 $0x8;
	s22 =	simm.s32 $0x19C00  }
0x35: {  	[tilespmem:s22], [sflag:$0x7] =	stream.indirect.gather [hbm4b:s1+s28], $0x80, s31, s28, $0xb8;
	[tilespmem:$0x1DC00] =	vst v63  }
0x36: {  	_ =	swait.ge [sflag:s19], $0x4000  }
0x37: {  	[sflag:s19] =	ssyncset.done $0x0  }
0x38: {  	s20 =	simm.s32 $0x380;
	s21 =	simm.s32 $0x2;
	[sflag:s19] =	ssyncadd.s32 $0xFFFFC000  }
0x39: {  	[tilespmem:s3], [sflag:$0x1] =	stream.indirect.gather [hbm4b:s1+s28], $0x80, s20, s28, $0xb8;
	[tilespmem:$0x1DC00] =	vst v63  }
0x3a: {  	_ =	swait.ge [sflag:s21], $0x4000  }
0x3b: {  	[sflag:s21] =	ssyncset.done $0x0  }
0x3c: {  	s24 =	simm.s32 $0x9;
	[sflag:s21] =	ssyncadd.s32 $0xFFFFC000;
	s21 =	rddreg [dreg:$0x14]  }
0x3d: {  	[hbm4b:s21+s4] =	stream.linear.scatter [tilespmem:s2], [sflag:$0x9], $0x4000, $0x38;
	[tilespmem:$0x1DC00] =	vst v63  }
0x3e: {  	_ =	swait.ge [sflag:s24], $0x4000  }
0x3f: {  	[sflag:s24] =	ssyncset.done $0x0  }
0x40: {  	s25 =	simm.s32 $0x400;
	[sflag:s24] =	ssyncadd.s32 $0xFFFFC000  }
0x41: {  	[tilespmem:s2], [sflag:$0x2] =	stream.indirect.gather [hbm4b:s1+s28], $0x80, s25, s28, $0xb8;
	[tilespmem:$0x1DC00] =	vst v63  }
0x42: {  	_ =	swait.ge [sflag:s10], $0x4000  }
0x43: {  	[sflag:s10] =	ssyncset.done $0x0  }
0x44: {  	s20 =	rddreg [dreg:$0x13];
	[sflag:s10] =	ssyncadd.s32 $0xFFFFC000  }
0x45: {  	[hbm4b:s20+s4] =	stream.linear.scatter [tilespmem:s17], [sflag:$0xA], $0x4000, $0x38;
	[tilespmem:$0x1DC00] =	vst v63  }
0x46: {  	_ =	swait.ge [sflag:s11], $0x4000  }
0x47: {  	[sflag:s11] =	ssyncset.done $0x0  }
0x48: {  	s30 =	simm.s32 $0x480;
	[sflag:s11] =	ssyncadd.s32 $0xFFFFC000  }
0x49: {  	[tilespmem:s17], [sflag:$0x3] =	stream.indirect.gather [hbm4b:s1+s28], $0x80, s30, s28, $0xb8;
	[tilespmem:$0x1DC00] =	vst v63  }
0x4a: {  	_ =	swait.ge [sflag:s12], $0x4000  }
0x4b: {  	[sflag:s12] =	ssyncset.done $0x0  }
0x4c: {  	s29 =	rddreg [dreg:$0x12];
	[sflag:s12] =	ssyncadd.s32 $0xFFFFC000  }
0x4d: {  	[hbm4b:s29+s4] =	stream.linear.scatter [tilespmem:s18], [sflag:$0xB], $0x4000, $0x38;
	[tilespmem:$0x1DC00] =	vst v63  }
0x4e: {  	_ =	swait.ge [sflag:s5], $0x4000  }
0x4f: {  	[sflag:s5] =	ssyncset.done $0x0  }
0x50: {  	s31 =	simm.s32 $0x500;
	[sflag:s5] =	ssyncadd.s32 $0xFFFFC000  }
0x51: {  	[tilespmem:s18], [sflag:$0x4] =	stream.indirect.gather [hbm4b:s1+s28], $0x80, s31, s28, $0xb8;
	[tilespmem:$0x1DC00] =	vst v63  }
0x52: {  	_ =	swait.ge [sflag:s13], $0x4000  }
0x53: {  	[sflag:s13] =	ssyncset.done $0x0  }
0x54: {  	s2 =	rddreg [dreg:$0x11];
	[sflag:s13] =	ssyncadd.s32 $0xFFFFC000  }
0x55: {  	[hbm4b:s2+s4] =	stream.linear.scatter [tilespmem:s6], [sflag:$0xC], $0x4000, $0x38;
	[tilespmem:$0x1DC00] =	vst v63  }
0x56: {  	_ =	swait.ge [sflag:s14], $0x4000  }
0x57: {  	[sflag:s14] =	ssyncset.done $0x0  }
0x58: {  	s3 =	simm.s32 $0x580;
	[sflag:s14] =	ssyncadd.s32 $0xFFFFC000  }
0x59: {  	[tilespmem:s6], [sflag:$0x5] =	stream.indirect.gather [hbm4b:s1+s28], $0x80, s3, s28, $0xb8;
	[tilespmem:$0x1DC00] =	vst v63  }
0x5a: {  	_ =	swait.ge [sflag:s15], $0x4000  }
0x5b: {  	[sflag:s15] =	ssyncset.done $0x0  }
0x5c: {  	s6 =	rddreg [dreg:$0x10];
	[sflag:s15] =	ssyncadd.s32 $0xFFFFC000  }
0x5d: {  	[hbm4b:s6+s4] =	stream.linear.scatter [tilespmem:s8], [sflag:$0xD], $0x4000, $0x38;
	[tilespmem:$0x1DC00] =	vst v63  }
0x5e: {  	_ =	swait.ge [sflag:s7], $0x4000  }
0x5f: {  	[sflag:s7] =	ssyncset.done $0x0  }
0x60: {  	s19 =	simm.s32 $0x600;
	[sflag:s7] =	ssyncadd.s32 $0xFFFFC000  }
0x61: {  	[tilespmem:s8], [sflag:$0x6] =	stream.indirect.gather [hbm4b:s1+s28], $0x80, s19, s28, $0xb8;
	[tilespmem:$0x1DC00] =	vst v63  }
0x62: {  	_ =	swait.ge [sflag:s26], $0x4000  }
0x63: {  	[sflag:s26] =	ssyncset.done $0x0  }
0x64: {  	s25 =	rddreg [dreg:$0xf];
	[sflag:s26] =	ssyncadd.s32 $0xFFFFC000  }
0x65: {  	[hbm4b:s25+s4] =	stream.linear.scatter [tilespmem:s22], [sflag:$0xE], $0x4000, $0x38;
	[tilespmem:$0x1DC00] =	vst v63  }
0x66: {  	s21 =	sadd.s32 $0x70000, s21;
	s24 =	simm.s32 $0x680;
	_ =	swait.ge [sflag:s16], $0x4000  }
0x67: {  	s20 =	sadd.s32 $0x70000, s20;
	s17 =	sadd.s32 $0x70000, s29;
	[sflag:s16] =	ssyncset.done $0x0  }
0x68: {  	s18 =	simm.s32 $0xE00;
	s3 =	sadd.s32 $0x70000, s6;
	[sflag:s16] =	ssyncadd.s32 $0xFFFFC000  }
0x69: {  	[tilespmem:s22], [sflag:$0x7] =	stream.indirect.gather [hbm4b:s1+s28], $0x80, s24, s28, $0xb8;
	[tilespmem:$0x1DC00] =	vst v63  }
0x6a: {  	s29 =	sadd.s32 $0x70000, s25;
	s30 =	rddreg [dreg:$0x15];
	_ =	swait.ge [sflag:s9], $0x4000  }
0x6b: {  	s19 =	sadd.s32 $0x380000, s30;
	s31 =	sshrl.u32 s30, $0x3;
	[sflag:s9] =	ssyncset.done $0x0  }
0x6c: {  	s22 =	sadd.s32 $0x70000, s2;
	s0 =	sadd.s32 s23, s31;
	[sflag:s9] =	ssyncadd.s32 $0xFFFFC000  }
.LBB2_2:
0x6d: {  	s2 =	simm.s32 $0x1C00  }
0x6e: {  	[hbm4b:s0+s4] =	stream.linear.scatter [tilespmem:s2], [sflag:$0x8], $0x4000, $0x38;
	[tilespmem:$0x1DC00] =	vst v63  }
0x6f: {  	s30 =	smov.u32 s19;
	s6 =	simm.s32 $0x8;
	s0 =	smov.u32 s18  }
0x70: {  	p0 =	sne.s32 s18, $0x4600;
	s18 =	sadd.s32 $0xE00, s18;
	_ =	swait.ge [sflag:s6], $0x4000  }
0x71: {  	s0 =	sshra.s32 s0, $0x2;
	[sflag:s6] =	ssyncset.done $0x0  }
0x72: {  	s25 =	smov.u32 s23;
	s23 =	sadd.s32 $0x380, s0;
	[sflag:s6] =	ssyncadd.s32 $0xFFFFC000  }
0x73: {  	[tilespmem:s2], [sflag:$0x1] =	stream.indirect.gather [hbm4b:s1+s28], $0x80, s23, s28, $0xb8;
	[tilespmem:$0x1DC00] =	vst v63  }
0x74: {  	s2 =	simm.s32 $0x2  }
0x75: {  	_ =	swait.ge [sflag:s2], $0x4000  }
0x76: {  	[sflag:s2] =	ssyncset.done $0x0  }
0x77: {  	s31 =	simm.s32 $0x5C00;
	[sflag:s2] =	ssyncadd.s32 $0xFFFFC000;
	s2 =	simm.s32 $0x9  }
0x78: {  	[hbm4b:s21+s4] =	stream.linear.scatter [tilespmem:s31], [sflag:$0x9], $0x4000, $0x38;
	[tilespmem:$0x1DC00] =	vst v63  }
0x79: {  	_ =	swait.ge [sflag:s2], $0x4000  }
0x7a: {  	[sflag:s2] =	ssyncset.done $0x0  }
0x7b: {  	s23 =	sadd.s32 $0x400, s0;
	[sflag:s2] =	ssyncadd.s32 $0xFFFFC000;
	s2 =	simm.s32 $0x5C00  }
0x7c: {  	[tilespmem:s31], [sflag:$0x2] =	stream.indirect.gather [hbm4b:s1+s28], $0x80, s23, s28, $0xb8;
	[tilespmem:$0x1DC00] =	vst v63  }
0x7d: {  	_ =	swait.ge [sflag:s10], $0x4000  }
0x7e: {  	[sflag:s10] =	ssyncset.done $0x0  }
0x7f: {  	s24 =	simm.s32 $0x9C00;
	[sflag:s10] =	ssyncadd.s32 $0xFFFFC000  }
0x80: {  	[hbm4b:s20+s4] =	stream.linear.scatter [tilespmem:s24], [sflag:$0xA], $0x4000, $0x38;
	[tilespmem:$0x1DC00] =	vst v63  }
0x81: {  	_ =	swait.ge [sflag:s11], $0x4000  }
0x82: {  	[sflag:s11] =	ssyncset.done $0x0  }
0x83: {  	s23 =	sadd.s32 $0x480, s0;
	s31 =	simm.s32 $0x9C00;
	[sflag:s11] =	ssyncadd.s32 $0xFFFFC000  }
0x84: {  	[tilespmem:s24], [sflag:$0x3] =	stream.indirect.gather [hbm4b:s1+s28], $0x80, s23, s28, $0xb8;
	[tilespmem:$0x1DC00] =	vst v63  }
0x85: {  	_ =	swait.ge [sflag:s12], $0x4000  }
0x86: {  	[sflag:s12] =	ssyncset.done $0x0  }
0x87: {  	s6 =	simm.s32 $0xDC00;
	[sflag:s12] =	ssyncadd.s32 $0xFFFFC000  }
0x88: {  	[hbm4b:s17+s4] =	stream.linear.scatter [tilespmem:s6], [sflag:$0xB], $0x4000, $0x38;
	[tilespmem:$0x1DC00] =	vst v63  }
0x89: {  	_ =	swait.ge [sflag:s5], $0x4000  }
0x8a: {  	[sflag:s5] =	ssyncset.done $0x0  }
0x8b: {  	s23 =	sadd.s32 $0x500, s0;
	s24 =	simm.s32 $0xDC00;
	[sflag:s5] =	ssyncadd.s32 $0xFFFFC000  }
0x8c: {  	[tilespmem:s6], [sflag:$0x4] =	stream.indirect.gather [hbm4b:s1+s28], $0x80, s23, s28, $0xb8;
	[tilespmem:$0x1DC00] =	vst v63  }
0x8d: {  	_ =	swait.ge [sflag:s13], $0x4000  }
0x8e: {  	[sflag:s13] =	ssyncset.done $0x0  }
0x8f: {  	s8 =	simm.s32 $0x11C00;
	[sflag:s13] =	ssyncadd.s32 $0xFFFFC000  }
0x90: {  	[hbm4b:s22+s4] =	stream.linear.scatter [tilespmem:s8], [sflag:$0xC], $0x4000, $0x38;
	[tilespmem:$0x1DC00] =	vst v63  }
0x91: {  	_ =	swait.ge [sflag:s14], $0x4000  }
0x92: {  	[sflag:s14] =	ssyncset.done $0x0  }
0x93: {  	s23 =	sadd.s32 $0x580, s0;
	s6 =	simm.s32 $0x11C00;
	[sflag:s14] =	ssyncadd.s32 $0xFFFFC000  }
0x94: {  	[tilespmem:s8], [sflag:$0x5] =	stream.indirect.gather [hbm4b:s1+s28], $0x80, s23, s28, $0xb8;
	[tilespmem:$0x1DC00] =	vst v63  }
0x95: {  	_ =	swait.ge [sflag:s15], $0x4000  }
0x96: {  	[sflag:s15] =	ssyncset.done $0x0  }
0x97: {  	s9 =	simm.s32 $0x15C00;
	[sflag:s15] =	ssyncadd.s32 $0xFFFFC000  }
0x98: {  	[hbm4b:s3+s4] =	stream.linear.scatter [tilespmem:s9], [sflag:$0xD], $0x4000, $0x38;
	[tilespmem:$0x1DC00] =	vst v63  }
0x99: {  	_ =	swait.ge [sflag:s7], $0x4000  }
0x9a: {  	[sflag:s7] =	ssyncset.done $0x0  }
0x9b: {  	s23 =	sadd.s32 $0x600, s0;
	[sflag:s7] =	ssyncadd.s32 $0xFFFFC000  }
0x9c: {  	[tilespmem:s9], [sflag:$0x6] =	stream.indirect.gather [hbm4b:s1+s28], $0x80, s23, s28, $0xb8;
	[tilespmem:$0x1DC00] =	vst v63  }
0x9d: {  	s8 =	simm.s32 $0x15C00;
	s23 =	smov.u32 s25  }
0x9e: {  	_ =	swait.ge [sflag:s26], $0x4000  }
0x9f: {  	[sflag:s26] =	ssyncset.done $0x0  }
0xa0: {  	s9 =	simm.s32 $0x19C00;
	[sflag:s26] =	ssyncadd.s32 $0xFFFFC000  }
0xa1: {  	[hbm4b:s29+s4] =	stream.linear.scatter [tilespmem:s9], [sflag:$0xE], $0x4000, $0x38;
	[tilespmem:$0x1DC00] =	vst v63  }
0xa2: {  	s19 =	sadd.s32 $0x380000, s19;
	_ =	swait.ge [sflag:s16], $0x4000  }
0xa3: {  	s21 =	sadd.s32 $0x70000, s21;
	s20 =	sadd.s32 $0x70000, s20;
	[sflag:s16] =	ssyncset.done $0x0  }
0xa4: {  	s0 =	sadd.s32 $0x680, s0;
	[sflag:s16] =	ssyncadd.s32 $0xFFFFC000  }
0xa5: {  	[tilespmem:s9], [sflag:$0x7] =	stream.indirect.gather [hbm4b:s1+s28], $0x80, s0, s28, $0xb8;
	[tilespmem:$0x1DC00] =	vst v63  }
.Ltmp0:
0xa6: {  	_ = 	snop;
	(pc) =	sbr.rel @p0 .LBB2_2-.Ltmp0, $4  }
0xa7: {  	s25 =	simm.s32 $0x19C00;
	s9 =	simm.s32 $0x1  }
0xa8: {  	s17 =	sadd.s32 $0x70000, s17;
	s22 =	sadd.s32 $0x70000, s22;
	_ =	swait.ge [sflag:s9], $0x4000  }
0xa9: {  	s3 =	sadd.s32 $0x70000, s3;
	s0 =	sshrl.u32 s30, $0x3;
	[sflag:s9] =	ssyncset.done $0x0  }
0xaa: {  	s29 =	sadd.s32 $0x70000, s29;
	s0 =	sadd.s32 s23, s0;
	[sflag:s9] =	ssyncadd.s32 $0xFFFFC000  }
0xab: {  	s3 =	simm.s32 $0x1C00;
	s9 =	simm.s32 $0x8  }
0xac: {  	[hbm4b:s0+s4] =	stream.linear.scatter [tilespmem:s3], [sflag:$0x8], $0x4000, $0x38;
	[tilespmem:$0x1DC00] =	vst v63  }
0xad: {  	_ =	swait.ge [sflag:s9], $0x4000  }
0xae: {  	[sflag:s9] =	ssyncset.done $0x0  }
0xaf: {  	s29 =	simm.s32 $0x1880;
	s30 =	simm.s32 $0x2;
	[sflag:s9] =	ssyncadd.s32 $0xFFFFC000  }
0xb0: {  	[tilespmem:s3], [sflag:$0x1] =	stream.indirect.gather [hbm4b:s1+s28], $0x80, s29, s28, $0xb8;
	[tilespmem:$0x1DC00] =	vst v63  }
0xb1: {  	_ =	swait.ge [sflag:s30], $0x4000  }
0xb2: {  	[sflag:s30] =	ssyncset.done $0x0  }
0xb3: {  	s17 =	rddreg [dreg:$0x7];
	[sflag:s30] =	ssyncadd.s32 $0xFFFFC000  }
0xb4: {  	[hbm4b:s17+s4] =	stream.linear.scatter [tilespmem:s2], [sflag:$0x9], $0x4000, $0x38;
	[tilespmem:$0x1DC00] =	vst v63  }
0xb5: {  	_ =	swait.ge [sflag:s10], $0x4000  }
0xb6: {  	[sflag:s10] =	ssyncset.done $0x0  }
0xb7: {  	s18 =	rddreg [dreg:$0x8];
	[sflag:s10] =	ssyncadd.s32 $0xFFFFC000  }
0xb8: {  	[hbm4b:s18+s4] =	stream.linear.scatter [tilespmem:s31], [sflag:$0xA], $0x4000, $0x38;
	[tilespmem:$0x1DC00] =	vst v63  }
0xb9: {  	_ =	swait.ge [sflag:s12], $0x4000  }
0xba: {  	[sflag:s12] =	ssyncset.done $0x0  }
0xbb: {  	s19 =	rddreg [dreg:$0x9];
	[sflag:s12] =	ssyncadd.s32 $0xFFFFC000  }
0xbc: {  	[hbm4b:s19+s4] =	stream.linear.scatter [tilespmem:s24], [sflag:$0xB], $0x4000, $0x38;
	[tilespmem:$0x1DC00] =	vst v63  }
0xbd: {  	_ =	swait.ge [sflag:s13], $0x4000  }
0xbe: {  	[sflag:s13] =	ssyncset.done $0x0  }
0xbf: {  	s20 =	rddreg [dreg:$0xa];
	[sflag:s13] =	ssyncadd.s32 $0xFFFFC000  }
0xc0: {  	[hbm4b:s20+s4] =	stream.linear.scatter [tilespmem:s6], [sflag:$0xC], $0x4000, $0x38;
	[tilespmem:$0x1DC00] =	vst v63  }
0xc1: {  	_ =	swait.ge [sflag:s15], $0x4000  }
0xc2: {  	[sflag:s15] =	ssyncset.done $0x0  }
0xc3: {  	s21 =	rddreg [dreg:$0xb];
	[sflag:s15] =	ssyncadd.s32 $0xFFFFC000  }
0xc4: {  	[hbm4b:s21+s4] =	stream.linear.scatter [tilespmem:s8], [sflag:$0xD], $0x4000, $0x38;
	[tilespmem:$0x1DC00] =	vst v63  }
0xc5: {  	_ =	swait.ge [sflag:s26], $0x4000  }
0xc6: {  	[sflag:s26] =	ssyncset.done $0x0  }
0xc7: {  	s24 =	simm.s32 $0x1;
	s22 =	rddreg [dreg:$0xc];
	[sflag:s26] =	ssyncadd.s32 $0xFFFFC000  }
0xc8: {  	[hbm4b:s22+s4] =	stream.linear.scatter [tilespmem:s25], [sflag:$0xE], $0x4000, $0x38;
	[tilespmem:$0x1DC00] =	vst v63  }
0xc9: {  	_ =	swait.ge [sflag:s24], $0x4000  }
0xca: {  	[sflag:s24] =	ssyncset.done $0x0  }
0xcb: {  	s29 =	simm.s32 $0x9;
	s25 =	rddreg [dreg:$0xd];
	[sflag:s24] =	ssyncadd.s32 $0xFFFFC000  }
0xcc: {  	[hbm4b:s25+s4] =	stream.linear.scatter [tilespmem:s3], [sflag:$0x8], $0x4000, $0x38;
	[tilespmem:$0x1DC00] =	vst v63  }
0xcd: {  	_ =	swait.ge [sflag:s29], $0x4000  }
0xce: {  	[sflag:s29] =	ssyncset.done $0x0  }
0xcf: {  	[sflag:s29] =	ssyncadd.s32 $0xFFFFC000  }
0xd0: {  	_ =	swait.ge [sflag:s11], $0x4000  }
0xd1: {  	[sflag:s11] =	ssyncset.done $0x0  }
0xd2: {  	[sflag:s11] =	ssyncadd.s32 $0xFFFFC000  }
0xd3: {  	_ =	swait.ge [sflag:s5], $0x4000  }
0xd4: {  	[sflag:s5] =	ssyncset.done $0x0  }
0xd5: {  	[sflag:s5] =	ssyncadd.s32 $0xFFFFC000  }
0xd6: {  	_ =	swait.ge [sflag:s14], $0x4000  }
0xd7: {  	[sflag:s14] =	ssyncset.done $0x0  }
0xd8: {  	[sflag:s14] =	ssyncadd.s32 $0xFFFFC000  }
0xd9: {  	_ =	swait.ge [sflag:s7], $0x4000  }
0xda: {  	[sflag:s7] =	ssyncset.done $0x0  }
0xdb: {  	[sflag:s7] =	ssyncadd.s32 $0xFFFFC000  }
0xdc: {  	_ =	swait.ge [sflag:s16], $0x4000  }
0xdd: {  	[sflag:s16] =	ssyncset.done $0x0  }
0xde: {  	[sflag:s16] =	ssyncadd.s32 $0xFFFFC000  }
0xdf: {  	_ =	swait.ge [sflag:s9], $0x4000  }
0xe0: {  	s30 =	rddreg [dreg:$0x16]  }
0xe1: {  	s31 =	rddreg [dreg:$0xe];
	s2 =	sadd.s32 $0x1, s30  }
0xe2: {  	p0 =	sne.s32 s2, s31  }
.Ltmp1:
0xe3: {  	_ = 	snop;
	(pc) =	sbr.rel @p0 .LBB2_1-.Ltmp1, $3  }
0xe4: {  	_ =	sdelay $0x1  }
0xe5: {  	[sflag:s9] =	ssyncset.done $0x0  }
0xe6: {  	[sflag:s9] =	ssyncadd.s32 $0xFFFFC000  }
0xe7: {  	_ =	sfence.sel $0x180000  }
0xe8: {  	[bflag:$0x0] =	sbarrier.arrive $0xFFFF  }
0xe9: {  	_ =	strace $0x90000047  }
0xea: {  	s0 =	stileid.u32;
	[bflag:$0x2] =	sbarrier.arrive $0xFFFF  }
0xeb: {  	p0 =	sne.s32 s0, $0x0;
	s0 =	rddreg [dreg:$0x3]  }
0xec: {  	s0 =	sadd.s32 @!p0 $0x100000, s0  }
0xed: {  	[sflag:s0] =	ssyncadd.tile.s32 @!p0 $0x1;
	_ =	shalt  }
.Lfunc_end2:
_tile_overlayer_lowered:
.L_overlay_start_2:
0xee: {  	(tag) =	ssettag $0x2  }
0xef: {  	s0 =	rddreg [dreg:$0x0];
	s2 =	stileid.u32  }
0xf0: {  	s1 =	rddreg [dreg:$0x1];
	p0 =	sne.s32 s2, $0x0  }
0xf1: {  	s3 =	rddreg [dreg:$0x2];
	[bflag:$0x3] =	sbarrier.arrive $0xFFFF;
	s2 =	simm.s32 @!p0 $0x1C0F  }
0xf2: {  	[timem:s3], [sflag:s2] =	dma.local @!p0 [hbm:s0], s1  }
0xf3: {  	s0 =	simm.s32 @!p0 $0xF  }
0xf4: {  	_ =	swait.ge @!p0 [sflag:s0], s1  }
0xf5: {  	s1 =	ssub.s32 @!p0 $0x0, s1;
	[sflag:s0] =	ssyncset.done @!p0 $0x0  }
0xf6: {  	[sflag:s0] =	ssyncadd.s32 @!p0 s1  }
0xf7: {  	[bflag:$0x3] =	sbarrier.arrive $0xFFFF  }
0xf8: {  	_ =	shalt  }

</sc_bundles>
